<compile_context>
chip_gen: v7x
topology: tpu7x:2x2x1
jax: 0.10.2.dev20260603
libtpu: 0.0.44.dev20260713+nightly
codegen_flags: <defaults>
</compile_context>

<pallas_src>
import functools

import jax
import jax.numpy as jnp
from jax import lax
from jax.experimental import pallas as pl
from jax.experimental.pallas import tpu as pltpu
from jax.experimental.pallas import tpu_sc as plsc

N = 10000
E = 320000
D = 128
NC = 2
NS = 16
EW = E // (NC * NS)
CK = 80
NCH = EW // CK
NPA = 10112
RT = NPA // NS
NPD = 10240
RTD = NPD // NS
SLOTS = 3
NGRP = NCH // SLOTS

_mesh = plsc.VectorSubcoreMesh(
    core_axis_name="c", subcore_axis_name="s", num_cores=NC, num_subcores=NS
)


@functools.partial(
    pl.kernel,
    out_type=(jax.ShapeDtypeStruct((NPD,), jnp.float32),
              jax.ShapeDtypeStruct((NPD,), jnp.float32)),
    mesh=_mesh,
    scratch_types=[
        pltpu.VMEM((NCH, CK), jnp.int32),
        pltpu.VMEM((CK,), jnp.float32),
        pltpu.VMEM_SHARED((NPD,), jnp.float32),
        pltpu.SemaphoreType.DMA,
    ],
)
def _sc_degree(edge4_hbm, ones_hbm, zeros_hbm, deg0_hbm, deg1_hbm,
               dstv, ones_v, deg_sh, dsem):
    c = lax.axis_index("c")
    s = lax.axis_index("s")
    w = c * NS + s
    pltpu.sync_copy(zeros_hbm.at[pl.ds(s * RTD, RTD)], deg_sh.at[pl.ds(s * RTD, RTD)])
    pltpu.sync_copy(edge4_hbm.at[1, w], dstv)
    pltpu.sync_copy(ones_hbm, ones_v)
    plsc.subcore_barrier()

    def fire(j, carry):
        pltpu.async_copy(ones_v, deg_sh.at[dstv.at[j]], dsem, add=True)
        return carry

    lax.fori_loop(0, NCH, fire, 0)

    def drain(j, carry):
        pltpu.make_async_copy(ones_v, deg_sh.at[dstv.at[j]], dsem).wait()
        return carry

    lax.fori_loop(0, NCH, drain, 0)
    plsc.subcore_barrier()

    @pl.when(c == 0)
    def _():
        pltpu.sync_copy(deg_sh.at[pl.ds(s * RTD, RTD)], deg0_hbm.at[pl.ds(s * RTD, RTD)])

    @pl.when(c == 1)
    def _():
        pltpu.sync_copy(deg_sh.at[pl.ds(s * RTD, RTD)], deg1_hbm.at[pl.ds(s * RTD, RTD)])


@functools.partial(
    pl.kernel,
    out_type=jax.ShapeDtypeStruct((NC, NPA, D), jnp.float32),
    mesh=_mesh,
    scratch_types=[
        pltpu.VMEM((NCH, CK), jnp.int32),
        pltpu.VMEM((CK,), jnp.int32),
        pltpu.VMEM((CK,), jnp.int32),
        pltpu.VMEM((CK,), jnp.int32),
        pltpu.VMEM((CK, D), jnp.float32),
        pltpu.VMEM((CK, D), jnp.float32),
        pltpu.VMEM((CK, D), jnp.float32),
        pltpu.VMEM_SHARED((NPA, D), jnp.float32),
        pltpu.SemaphoreType.DMA,
        pltpu.SemaphoreType.DMA,
        pltpu.SemaphoreType.DMA,
        pltpu.SemaphoreType.DMA,
        pltpu.SemaphoreType.DMA,
        pltpu.SemaphoreType.DMA,
    ],
)
def _sc_agg(edge4_hbm, dst_hbm, y_hbm, zeros_hbm, agg_hbm,
            srcv, di0, di1, di2, b0, b1, b2, agg_sh,
            g0, g1, g2, s0, s1, s2):
    c = lax.axis_index("c")
    s = lax.axis_index("s")
    w = c * NS + s
    base = w * EW
    didx = (di0, di1, di2)
    bufs = (b0, b1, b2)
    gsem = (g0, g1, g2)
    ssem = (s0, s1, s2)
    pltpu.sync_copy(zeros_hbm, agg_sh.at[pl.ds(s * RT, RT)])
    pltpu.sync_copy(edge4_hbm.at[0, w], srcv)
    plsc.subcore_barrier()

    def fire(j, k):
        pltpu.async_copy(dst_hbm.at[pl.ds(base + j * CK, CK)], didx[k], gsem[k])
        pltpu.async_copy(y_hbm.at[srcv.at[j]], bufs[k], gsem[k])

    def wait_gather(j, k):
        pltpu.make_async_copy(
            dst_hbm.at[pl.ds(base + j * CK, CK)], didx[k], gsem[k]).wait()
        pltpu.make_async_copy(y_hbm.at[srcv.at[j]], bufs[k], gsem[k]).wait()

    for k in range(SLOTS):
        fire(k, k)

    def body(t, carry):
        j0 = t * SLOTS
        handles = []
        for k in range(SLOTS):
            wait_gather(j0 + k, k)
            handles.append(pltpu.async_copy(
                bufs[k], agg_sh.at[didx[k]], ssem[k], add=True))
        for k, h in enumerate(handles):
            h.wait()

            @pl.when(t < NGRP - 1)
            def _():
                fire(j0 + SLOTS + k, k)

        return carry

    lax.fori_loop(0, NGRP, body, 0)
    for i, j in enumerate(range(SLOTS * NGRP, NCH)):
        fire(j, i)
        wait_gather(j, i)
        pltpu.async_copy(bufs[i], agg_sh.at[didx[i]], ssem[i], add=True).wait()
    plsc.subcore_barrier()
    pltpu.sync_copy(agg_sh.at[pl.ds(s * RT, RT)], agg_hbm.at[c, pl.ds(s * RT, RT)])


_BR = 2000


def _tc_y_body(x_ref, d0_ref, d1_ref, y_ref):
    dis = lax.rsqrt(d0_ref[...] + d1_ref[...] + 1.0)
    y_ref[...] = x_ref[...] * dis


def _tc_y(x, d0, d1):
    return pl.pallas_call(
        _tc_y_body,
        grid=(N // _BR,),
        in_specs=[
            pl.BlockSpec((_BR, D), lambda i: (i, 0)),
            pl.BlockSpec((_BR, 1), lambda i: (i, 0)),
            pl.BlockSpec((_BR, 1), lambda i: (i, 0)),
        ],
        out_specs=pl.BlockSpec((_BR, D), lambda i: (i, 0)),
        out_shape=jax.ShapeDtypeStruct((N, D), jnp.float32),
    )(x, d0, d1)


def _tc_out_body(agg_ref, x_ref, d0_ref, d1_ref, wt_ref, b_ref, o_ref):
    dis = lax.rsqrt(d0_ref[...] + d1_ref[...] + 1.0)
    t = (agg_ref[0] + agg_ref[1]) * dis + x_ref[...] * (dis * dis)
    o_ref[...] = (
        jnp.dot(t, wt_ref[...], preferred_element_type=jnp.float32) + b_ref[...]
    )


def _tc_out(agg2, x, d0, d1, wt, b2):
    return pl.pallas_call(
        _tc_out_body,
        grid=(N // _BR,),
        in_specs=[
            pl.BlockSpec((NC, _BR, D), lambda i: (0, i, 0)),
            pl.BlockSpec((_BR, D), lambda i: (i, 0)),
            pl.BlockSpec((_BR, 1), lambda i: (i, 0)),
            pl.BlockSpec((_BR, 1), lambda i: (i, 0)),
            pl.BlockSpec((D, D), lambda i: (0, 0)),
            pl.BlockSpec((1, D), lambda i: (0, 0)),
        ],
        out_specs=pl.BlockSpec((_BR, D), lambda i: (i, 0)),
        out_shape=jax.ShapeDtypeStruct((N, D), jnp.float32),
    )(agg2, x, d0, d1, wt, b2)


def kernel(x, edge_index, W, b):
    edge4 = edge_index.astype(jnp.int32).reshape(2, NC * NS, NCH, CK)
    dst = edge_index[1].astype(jnp.int32)
    ones_c = jnp.ones((CK,), jnp.float32)
    zeros_d = jnp.zeros((NPD,), jnp.float32)
    zeros_a = jnp.zeros((RT, D), jnp.float32)

    deg0, deg1 = _sc_degree(edge4, ones_c, zeros_d)
    d0 = deg0.reshape(NPD, 1)
    d1 = deg1.reshape(NPD, 1)
    y = _tc_y(x, d0, d1)
    agg2 = _sc_agg(edge4, dst, y, zeros_a)
    return _tc_out(agg2, x, d0, d1, W.T, b.reshape(1, D))

# --- scband reference (transcript-rebuilt; emitter-appended) ---
"""Pipeline reference for scband-pure-graph-conv-66340064854627 (READ-ONLY COPY).

The authoritative reference and input builder live on the scoring server;
editing this copy changes nothing except your own understanding.
"""

import jax, jax.numpy as jnp
import numpy as np

N_NODES = 10000
N_EDGES = 320000
D_IN = 128
D_OUT = 128


def setup_inputs(seed: int = 0) -> dict:
    key = jax.random.key(seed)
    k_x, k_ei, k_w, k_b = jax.random.split(key, 4)
    x = jax.random.normal(k_x, (N_NODES, D_IN), dtype=jnp.float32)
    edge_index = jax.random.randint(k_ei, (2, N_EDGES), 0, N_NODES, dtype=jnp.int64)
    # nn.Linear params: weight [out_dim, in_dim], bias [out_dim]
    bound = 1.0 / np.sqrt(D_IN)
    W = jax.random.uniform(k_w, (D_OUT, D_IN), minval=-bound, maxval=bound, dtype=jnp.float32)
    b = jax.random.uniform(k_b, (D_OUT,), minval=-bound, maxval=bound, dtype=jnp.float32)
    return {"x": x, "edge_index": edge_index, "W": W, "b": b}


def reference(x, edge_index, W, b):
    num_nodes = x.shape[0]
    # add self loops
    loops = jnp.arange(num_nodes, dtype=edge_index.dtype)
    self_loops = jnp.stack([loops, loops], axis=0)
    ei = jnp.concatenate([edge_index, self_loops], axis=1)
    src, dst = ei[0], ei[1]
    # degree via scatter-add of ones on dst
    deg = jnp.zeros((num_nodes,), dtype=x.dtype).at[dst].add(
        jnp.ones((src.shape[0],), dtype=x.dtype)
    )
    deg_inv_sqrt = jnp.power(deg, -0.5)
    deg_inv_sqrt = jnp.where(deg == 0, jnp.zeros_like(deg_inv_sqrt), deg_inv_sqrt)
    # symmetric normalization per edge
    norm = deg_inv_sqrt[src] * deg_inv_sqrt[dst]
    # gather source features, scale, scatter-add to dst
    out = jnp.zeros_like(x).at[dst].add(x[src] * norm[:, None])
    # final linear
    return out @ W.T + b

if __name__ == "__main__":
    import jax
    _d = setup_inputs()
    print(jax.jit(kernel)(*tuple(_d.values())))

</pallas_src>

<mosaic_0001>
#map = affine_map<(d0, d1) -> (0, 0, 0, 0)>
#map1 = affine_map<(d0, d1) -> (0)>
#map2 = affine_map<(d0, d1) -> (0, 0)>
#map3 = affine_map<(d0, d1) -> (0, 0, 0)>
module attributes {stable_mosaic.version = 14 : i64} {
  func.func @_sc_agg(%arg0: i32, %arg1: i32, %arg2: memref<2x32x125x80xi32, #tpu.memory_space<hbm>>, %arg3: memref<320000xi32, #tpu.memory_space<hbm>>, %arg4: memref<10000x128xf32, #tpu.memory_space<hbm>>, %arg5: memref<632x128xf32, #tpu.memory_space<hbm>>, %arg6: memref<2x10112x128xf32, #tpu.memory_space<hbm>>, %arg7: memref<125x80xi32, #tpu.memory_space<vmem>>, %arg8: memref<80xi32, #tpu.memory_space<vmem>>, %arg9: memref<80xi32, #tpu.memory_space<vmem>>, %arg10: memref<80xi32, #tpu.memory_space<vmem>>, %arg11: memref<80x128xf32, #tpu.memory_space<vmem>>, %arg12: memref<80x128xf32, #tpu.memory_space<vmem>>, %arg13: memref<80x128xf32, #tpu.memory_space<vmem>>, %arg14: memref<10112x128xf32, #tpu.memory_space<vmem_shared>>, %arg15: memref<!tpu.dma_semaphore, #tpu.memory_space<semaphore_mem>>, %arg16: memref<!tpu.dma_semaphore, #tpu.memory_space<semaphore_mem>>, %arg17: memref<!tpu.dma_semaphore, #tpu.memory_space<semaphore_mem>>, %arg18: memref<!tpu.dma_semaphore, #tpu.memory_space<semaphore_mem>>, %arg19: memref<!tpu.dma_semaphore, #tpu.memory_space<semaphore_mem>>, %arg20: memref<!tpu.dma_semaphore, #tpu.memory_space<semaphore_mem>>) attributes {dimension_semantics = [#tpu.dimension_semantics<core_parallel>, #tpu.dimension_semantics<subcore_parallel>], iteration_bounds = array<i64: 2, 16>, scalar_prefetch = 0 : i64, scratch_operands = 14 : i64, tpu.core_type = #tpu.core_type<sc_vector_subcore>, window_params = [{transform_indices = #map}, {transform_indices = #map1}, {transform_indices = #map2}, {transform_indices = #map2}, {transform_indices = #map3}]} {
    %mul3A = arith.constant 16 : i32
    %mul3A_0 = arith.muli %arg0, %mul3A : i32
    %add3A = arith.addi %mul3A_0, %arg1 : i32
    %mul3A_1 = arith.constant 10000 : i32
    %mul3A_2 = arith.muli %add3A, %mul3A_1 : i32
    %mul3A_3 = arith.constant 632 : i32
    %mul3A_4 = arith.muli %arg1, %mul3A_3 : i32
    "tpu.region"() ({
      %run_scoped3A_102 = tpu.sem_alloc : memref<!tpu.dma_semaphore, #tpu.memory_space<semaphore_mem>>
      %dma_start3A_103 = arith.constant 0 : i32
      %dma_start3A_104 = tpu.memref_slice %arg14[%mul3A_4, %dma_start3A_103] : memref<10112x128xf32, #tpu.memory_space<vmem_shared>> -> memref<632x128xf32, #tpu.memory_space<vmem_shared>>
      tpu.enqueue_dma source(%arg5 : memref<632x128xf32, #tpu.memory_space<hbm>>) target(%dma_start3A_104 : memref<632x128xf32, #tpu.memory_space<vmem_shared>>) target_semaphore(%run_scoped3A_102 : memref<!tpu.dma_semaphore, #tpu.memory_space<semaphore_mem>>)
      %dma_wait3A_105 = arith.constant 0 : i32
      %dma_wait3A_106 = tpu.memref_slice %arg14[%mul3A_4, %dma_wait3A_105] : memref<10112x128xf32, #tpu.memory_space<vmem_shared>> -> memref<632x128xf32, #tpu.memory_space<vmem_shared>>
      tpu.wait_dma2 semaphore(%run_scoped3A_102 : memref<!tpu.dma_semaphore, #tpu.memory_space<semaphore_mem>>) src(%arg5 : memref<632x128xf32, #tpu.memory_space<hbm>>) dst(%dma_wait3A_106 : memref<632x128xf32, #tpu.memory_space<vmem_shared>>)
      tpu.yield
    }) : () -> ()
    %run_scoped3A = arith.constant 0 : i32
    "tpu.region"() ({
      %run_scoped3A_102 = tpu.sem_alloc : memref<!tpu.dma_semaphore, #tpu.memory_space<semaphore_mem>>
      %dma_start3A_103 = arith.constant 0 : i32
      %dma_start3A_104 = arith.constant 0 : i32
      %dma_start3A_105 = tpu.memref_slice %arg2[%run_scoped3A, %add3A, %dma_start3A_103, %dma_start3A_104] : memref<2x32x125x80xi32, #tpu.memory_space<hbm>> -> memref<1x1x125x80xi32, #tpu.memory_space<hbm>>
      %dma_start3A_106 = tpu.memref_squeeze %dma_start3A_105 : memref<1x1x125x80xi32, #tpu.memory_space<hbm>> -> memref<125x80xi32, #tpu.memory_space<hbm>>
      %dma_start3A_107 = arith.constant 0 : i32
      %dma_start3A_108 = arith.constant 0 : i32
      %dma_start3A_109 = tpu.memref_slice %arg2[%run_scoped3A, %add3A, %dma_start3A_107, %dma_start3A_108] : memref<2x32x125x80xi32, #tpu.memory_space<hbm>> -> memref<1x1x125x80xi32, #tpu.memory_space<hbm>>
      %dma_start3A_110 = tpu.memref_squeeze %dma_start3A_109 : memref<1x1x125x80xi32, #tpu.memory_space<hbm>> -> memref<125x80xi32, #tpu.memory_space<hbm>>
      tpu.enqueue_dma source(%dma_start3A_110 : memref<125x80xi32, #tpu.memory_space<hbm>>) target(%arg7 : memref<125x80xi32, #tpu.memory_space<vmem>>) target_semaphore(%run_scoped3A_102 : memref<!tpu.dma_semaphore, #tpu.memory_space<semaphore_mem>>)
      %dma_wait3A_111 = arith.constant 0 : i32
      %dma_wait3A_112 = arith.constant 0 : i32
      %dma_wait3A_113 = tpu.memref_slice %arg2[%run_scoped3A, %add3A, %dma_wait3A_111, %dma_wait3A_112] : memref<2x32x125x80xi32, #tpu.memory_space<hbm>> -> memref<1x1x125x80xi32, #tpu.memory_space<hbm>>
      %dma_wait3A_114 = tpu.memref_squeeze %dma_wait3A_113 : memref<1x1x125x80xi32, #tpu.memory_space<hbm>> -> memref<125x80xi32, #tpu.memory_space<hbm>>
      %dma_wait3A_115 = arith.constant 0 : i32
      %dma_wait3A_116 = arith.constant 0 : i32
      %dma_wait3A_117 = tpu.memref_slice %arg2[%run_scoped3A, %add3A, %dma_wait3A_115, %dma_wait3A_116] : memref<2x32x125x80xi32, #tpu.memory_space<hbm>> -> memref<1x1x125x80xi32, #tpu.memory_space<hbm>>
      %dma_wait3A_118 = tpu.memref_squeeze %dma_wait3A_117 : memref<1x1x125x80xi32, #tpu.memory_space<hbm>> -> memref<125x80xi32, #tpu.memory_space<hbm>>
      tpu.wait_dma2 semaphore(%run_scoped3A_102 : memref<!tpu.dma_semaphore, #tpu.memory_space<semaphore_mem>>) src(%dma_wait3A_118 : memref<125x80xi32, #tpu.memory_space<hbm>>) dst(%arg7 : memref<125x80xi32, #tpu.memory_space<vmem>>)
      tpu.yield
    }) : () -> ()
    %barrier3A = arith.constant 0 : index
    tpu.barrier barrier_id(%barrier3A)
    %add3A_5 = arith.constant 0 : i32
    %add3A_6 = arith.addi %mul3A_2, %add3A_5 : i32
    %dma_start3A = tpu.memref_slice %arg3[%add3A_6] : memref<320000xi32, #tpu.memory_space<hbm>> -> memref<80xi32, #tpu.memory_space<hbm>>
    %dma_start3A_7 = tpu.memref_slice %arg3[%add3A_6] : memref<320000xi32, #tpu.memory_space<hbm>> -> memref<80xi32, #tpu.memory_space<hbm>>
    tpu.enqueue_dma source(%dma_start3A_7 : memref<80xi32, #tpu.memory_space<hbm>>) target(%arg8 : memref<80xi32, #tpu.memory_space<vmem>>) target_semaphore(%arg15 : memref<!tpu.dma_semaphore, #tpu.memory_space<semaphore_mem>>)
    %dma_start3A_8 = arith.constant 0 : i32
    %dma_start3A_9 = arith.constant 0 : i32
    %dma_start3A_10 = tpu.memref_slice %arg7[%dma_start3A_8, %dma_start3A_9] : memref<125x80xi32, #tpu.memory_space<vmem>> -> memref<1x80xi32, #tpu.memory_space<vmem>>
    %dma_start3A_11 = tpu.memref_squeeze %dma_start3A_10 : memref<1x80xi32, #tpu.memory_space<vmem>> -> memref<80xi32, #tpu.memory_space<vmem>>
    %dma_start3A_12 = arith.constant 0 : i32
    %dma_start3A_13 = arith.constant 0 : i32
    %dma_start3A_14 = tpu.memref_slice %arg4[%dma_start3A_12, %dma_start3A_13] : memref<10000x128xf32, #tpu.memory_space<hbm>> -> memref<10000x128xf32, #tpu.memory_space<hbm>>
    tpu.enqueue_indirect_dma source(%dma_start3A_14 : memref<10000x128xf32, #tpu.memory_space<hbm>>) target(%arg11 : memref<80x128xf32, #tpu.memory_space<vmem>>) offsets(%dma_start3A_11 : memref<80xi32, #tpu.memory_space<vmem>>) semaphore(%arg15 : memref<!tpu.dma_semaphore, #tpu.memory_space<semaphore_mem>>)
    %add3A_15 = arith.constant 80 : i32
    %add3A_16 = arith.addi %mul3A_2, %add3A_15 : i32
    %dma_start3A_17 = tpu.memref_slice %arg3[%add3A_16] : memref<320000xi32, #tpu.memory_space<hbm>> -> memref<80xi32, #tpu.memory_space<hbm>>
    %dma_start3A_18 = tpu.memref_slice %arg3[%add3A_16] : memref<320000xi32, #tpu.memory_space<hbm>> -> memref<80xi32, #tpu.memory_space<hbm>>
    tpu.enqueue_dma source(%dma_start3A_18 : memref<80xi32, #tpu.memory_space<hbm>>) target(%arg9 : memref<80xi32, #tpu.memory_space<vmem>>) target_semaphore(%arg16 : memref<!tpu.dma_semaphore, #tpu.memory_space<semaphore_mem>>)
    %dma_start3A_19 = arith.constant 1 : i32
    %dma_start3A_20 = arith.constant 0 : i32
    %dma_start3A_21 = tpu.memref_slice %arg7[%dma_start3A_19, %dma_start3A_20] : memref<125x80xi32, #tpu.memory_space<vmem>> -> memref<1x80xi32, #tpu.memory_space<vmem>>
    %dma_start3A_22 = tpu.memref_squeeze %dma_start3A_21 : memref<1x80xi32, #tpu.memory_space<vmem>> -> memref<80xi32, #tpu.memory_space<vmem>>
    %dma_start3A_23 = arith.constant 0 : i32
    %dma_start3A_24 = arith.constant 0 : i32
    %dma_start3A_25 = tpu.memref_slice %arg4[%dma_start3A_23, %dma_start3A_24] : memref<10000x128xf32, #tpu.memory_space<hbm>> -> memref<10000x128xf32, #tpu.memory_space<hbm>>
    tpu.enqueue_indirect_dma source(%dma_start3A_25 : memref<10000x128xf32, #tpu.memory_space<hbm>>) target(%arg12 : memref<80x128xf32, #tpu.memory_space<vmem>>) offsets(%dma_start3A_22 : memref<80xi32, #tpu.memory_space<vmem>>) semaphore(%arg16 : memref<!tpu.dma_semaphore, #tpu.memory_space<semaphore_mem>>)
    %add3A_26 = arith.constant 160 : i32
    %add3A_27 = arith.addi %mul3A_2, %add3A_26 : i32
    %dma_start3A_28 = tpu.memref_slice %arg3[%add3A_27] : memref<320000xi32, #tpu.memory_space<hbm>> -> memref<80xi32, #tpu.memory_space<hbm>>
    %dma_start3A_29 = tpu.memref_slice %arg3[%add3A_27] : memref<320000xi32, #tpu.memory_space<hbm>> -> memref<80xi32, #tpu.memory_space<hbm>>
    tpu.enqueue_dma source(%dma_start3A_29 : memref<80xi32, #tpu.memory_space<hbm>>) target(%arg10 : memref<80xi32, #tpu.memory_space<vmem>>) target_semaphore(%arg17 : memref<!tpu.dma_semaphore, #tpu.memory_space<semaphore_mem>>)
    %dma_start3A_30 = arith.constant 2 : i32
    %dma_start3A_31 = arith.constant 0 : i32
    %dma_start3A_32 = tpu.memref_slice %arg7[%dma_start3A_30, %dma_start3A_31] : memref<125x80xi32, #tpu.memory_space<vmem>> -> memref<1x80xi32, #tpu.memory_space<vmem>>
    %dma_start3A_33 = tpu.memref_squeeze %dma_start3A_32 : memref<1x80xi32, #tpu.memory_space<vmem>> -> memref<80xi32, #tpu.memory_space<vmem>>
    %dma_start3A_34 = arith.constant 0 : i32
    %dma_start3A_35 = arith.constant 0 : i32
    %dma_start3A_36 = tpu.memref_slice %arg4[%dma_start3A_34, %dma_start3A_35] : memref<10000x128xf32, #tpu.memory_space<hbm>> -> memref<10000x128xf32, #tpu.memory_space<hbm>>
    tpu.enqueue_indirect_dma source(%dma_start3A_36 : memref<10000x128xf32, #tpu.memory_space<hbm>>) target(%arg13 : memref<80x128xf32, #tpu.memory_space<vmem>>) offsets(%dma_start3A_33 : memref<80xi32, #tpu.memory_space<vmem>>) semaphore(%arg17 : memref<!tpu.dma_semaphore, #tpu.memory_space<semaphore_mem>>)
    %scan3A = arith.constant 0 : i32
    %scan3A_37 = arith.constant 0 : i32
    %scan3A_38 = arith.constant 41 : i32
    %scan3A_39 = arith.addi %scan3A_37, %scan3A_38 : i32
    %scan3A_40 = arith.constant 1 : i32
    scf.for %scan3A_102 = %scan3A_37 to %scan3A_39 step %scan3A_40  : i32 {
      %mul3A_103 = arith.constant 3 : i32
      %mul3A_104 = arith.muli %scan3A_102, %mul3A_103 : i32
      %add3A_105 = arith.constant 0 : i32
      %add3A_106 = arith.addi %mul3A_104, %add3A_105 : i32
      %mul3A_107 = arith.constant 80 : i32
      %mul3A_108 = arith.muli %add3A_106, %mul3A_107 : i32
      %add3A_109 = arith.addi %mul3A_2, %mul3A_108 : i32
      %dma_wait3A_110 = tpu.memref_slice %arg3[%add3A_109] : memref<320000xi32, #tpu.memory_space<hbm>> -> memref<80xi32, #tpu.memory_space<hbm>>
      %dma_wait3A_111 = tpu.memref_slice %arg3[%add3A_109] : memref<320000xi32, #tpu.memory_space<hbm>> -> memref<80xi32, #tpu.memory_space<hbm>>
      tpu.wait_dma2 semaphore(%arg15 : memref<!tpu.dma_semaphore, #tpu.memory_space<semaphore_mem>>) src(%dma_wait3A_111 : memref<80xi32, #tpu.memory_space<hbm>>) dst(%arg8 : memref<80xi32, #tpu.memory_space<vmem>>)
      %dma_wait3A_112 = arith.constant 0 : i32
      %dma_wait3A_113 = tpu.memref_slice %arg7[%add3A_106, %dma_wait3A_112] : memref<125x80xi32, #tpu.memory_space<vmem>> -> memref<1x80xi32, #tpu.memory_space<vmem>>
      %dma_wait3A_114 = tpu.memref_squeeze %dma_wait3A_113 : memref<1x80xi32, #tpu.memory_space<vmem>> -> memref<80xi32, #tpu.memory_space<vmem>>
      %dma_wait3A_115 = arith.constant 0 : i32
      %dma_wait3A_116 = arith.constant 0 : i32
      %dma_wait3A_117 = tpu.memref_slice %arg4[%dma_wait3A_115, %dma_wait3A_116] : memref<10000x128xf32, #tpu.memory_space<hbm>> -> memref<10000x128xf32, #tpu.memory_space<hbm>>
      tpu.wait_indirect_dma semaphore(%arg15 : memref<!tpu.dma_semaphore, #tpu.memory_space<semaphore_mem>>) src(%dma_wait3A_117 : memref<10000x128xf32, #tpu.memory_space<hbm>>) dst(%arg11 : memref<80x128xf32, #tpu.memory_space<vmem>>)
      %dma_start3A_118 = arith.constant 0 : i32
      %dma_start3A_119 = arith.constant 0 : i32
      %dma_start3A_120 = tpu.memref_slice %arg14[%dma_start3A_118, %dma_start3A_119] : memref<10112x128xf32, #tpu.memory_space<vmem_shared>> -> memref<10112x128xf32, #tpu.memory_space<vmem_shared>>
      tpu.enqueue_indirect_dma source(%arg11 : memref<80x128xf32, #tpu.memory_space<vmem>>) target(%dma_start3A_120 : memref<10112x128xf32, #tpu.memory_space<vmem_shared>>) offsets(%arg8 : memref<80xi32, #tpu.memory_space<vmem>>) semaphore(%arg18 : memref<!tpu.dma_semaphore, #tpu.memory_space<semaphore_mem>>) {add = true}
      %add3A_121 = arith.constant 1 : i32
      %add3A_122 = arith.addi %mul3A_104, %add3A_121 : i32
      %mul3A_123 = arith.constant 80 : i32
      %mul3A_124 = arith.muli %add3A_122, %mul3A_123 : i32
      %add3A_125 = arith.addi %mul3A_2, %mul3A_124 : i32
      %dma_wait3A_126 = tpu.memref_slice %arg3[%add3A_125] : memref<320000xi32, #tpu.memory_space<hbm>> -> memref<80xi32, #tpu.memory_space<hbm>>
      %dma_wait3A_127 = tpu.memref_slice %arg3[%add3A_125] : memref<320000xi32, #tpu.memory_space<hbm>> -> memref<80xi32, #tpu.memory_space<hbm>>
      tpu.wait_dma2 semaphore(%arg16 : memref<!tpu.dma_semaphore, #tpu.memory_space<semaphore_mem>>) src(%dma_wait3A_127 : memref<80xi32, #tpu.memory_space<hbm>>) dst(%arg9 : memref<80xi32, #tpu.memory_space<vmem>>)
      %dma_wait3A_128 = arith.constant 0 : i32
      %dma_wait3A_129 = tpu.memref_slice %arg7[%add3A_122, %dma_wait3A_128] : memref<125x80xi32, #tpu.memory_space<vmem>> -> memref<1x80xi32, #tpu.memory_space<vmem>>
      %dma_wait3A_130 = tpu.memref_squeeze %dma_wait3A_129 : memref<1x80xi32, #tpu.memory_space<vmem>> -> memref<80xi32, #tpu.memory_space<vmem>>
      %dma_wait3A_131 = arith.constant 0 : i32
      %dma_wait3A_132 = arith.constant 0 : i32
      %dma_wait3A_133 = tpu.memref_slice %arg4[%dma_wait3A_131, %dma_wait3A_132] : memref<10000x128xf32, #tpu.memory_space<hbm>> -> memref<10000x128xf32, #tpu.memory_space<hbm>>
      tpu.wait_indirect_dma semaphore(%arg16 : memref<!tpu.dma_semaphore, #tpu.memory_space<semaphore_mem>>) src(%dma_wait3A_133 : memref<10000x128xf32, #tpu.memory_space<hbm>>) dst(%arg12 : memref<80x128xf32, #tpu.memory_space<vmem>>)
      %dma_start3A_134 = arith.constant 0 : i32
      %dma_start3A_135 = arith.constant 0 : i32
      %dma_start3A_136 = tpu.memref_slice %arg14[%dma_start3A_134, %dma_start3A_135] : memref<10112x128xf32, #tpu.memory_space<vmem_shared>> -> memref<10112x128xf32, #tpu.memory_space<vmem_shared>>
      tpu.enqueue_indirect_dma source(%arg12 : memref<80x128xf32, #tpu.memory_space<vmem>>) target(%dma_start3A_136 : memref<10112x128xf32, #tpu.memory_space<vmem_shared>>) offsets(%arg9 : memref<80xi32, #tpu.memory_space<vmem>>) semaphore(%arg19 : memref<!tpu.dma_semaphore, #tpu.memory_space<semaphore_mem>>) {add = true}
      %add3A_137 = arith.constant 2 : i32
      %add3A_138 = arith.addi %mul3A_104, %add3A_137 : i32
      %mul3A_139 = arith.constant 80 : i32
      %mul3A_140 = arith.muli %add3A_138, %mul3A_139 : i32
      %add3A_141 = arith.addi %mul3A_2, %mul3A_140 : i32
      %dma_wait3A_142 = tpu.memref_slice %arg3[%add3A_141] : memref<320000xi32, #tpu.memory_space<hbm>> -> memref<80xi32, #tpu.memory_space<hbm>>
      %dma_wait3A_143 = tpu.memref_slice %arg3[%add3A_141] : memref<320000xi32, #tpu.memory_space<hbm>> -> memref<80xi32, #tpu.memory_space<hbm>>
      tpu.wait_dma2 semaphore(%arg17 : memref<!tpu.dma_semaphore, #tpu.memory_space<semaphore_mem>>) src(%dma_wait3A_143 : memref<80xi32, #tpu.memory_space<hbm>>) dst(%arg10 : memref<80xi32, #tpu.memory_space<vmem>>)
      %dma_wait3A_144 = arith.constant 0 : i32
      %dma_wait3A_145 = tpu.memref_slice %arg7[%add3A_138, %dma_wait3A_144] : memref<125x80xi32, #tpu.memory_space<vmem>> -> memref<1x80xi32, #tpu.memory_space<vmem>>
      %dma_wait3A_146 = tpu.memref_squeeze %dma_wait3A_145 : memref<1x80xi32, #tpu.memory_space<vmem>> -> memref<80xi32, #tpu.memory_space<vmem>>
      %dma_wait3A_147 = arith.constant 0 : i32
      %dma_wait3A_148 = arith.constant 0 : i32
      %dma_wait3A_149 = tpu.memref_slice %arg4[%dma_wait3A_147, %dma_wait3A_148] : memref<10000x128xf32, #tpu.memory_space<hbm>> -> memref<10000x128xf32, #tpu.memory_space<hbm>>
      tpu.wait_indirect_dma semaphore(%arg17 : memref<!tpu.dma_semaphore, #tpu.memory_space<semaphore_mem>>) src(%dma_wait3A_149 : memref<10000x128xf32, #tpu.memory_space<hbm>>) dst(%arg13 : memref<80x128xf32, #tpu.memory_space<vmem>>)
      %dma_start3A_150 = arith.constant 0 : i32
      %dma_start3A_151 = arith.constant 0 : i32
      %dma_start3A_152 = tpu.memref_slice %arg14[%dma_start3A_150, %dma_start3A_151] : memref<10112x128xf32, #tpu.memory_space<vmem_shared>> -> memref<10112x128xf32, #tpu.memory_space<vmem_shared>>
      tpu.enqueue_indirect_dma source(%arg13 : memref<80x128xf32, #tpu.memory_space<vmem>>) target(%dma_start3A_152 : memref<10112x128xf32, #tpu.memory_space<vmem_shared>>) offsets(%arg10 : memref<80xi32, #tpu.memory_space<vmem>>) semaphore(%arg20 : memref<!tpu.dma_semaphore, #tpu.memory_space<semaphore_mem>>) {add = true}
      %dma_wait3A_153 = arith.constant 0 : i32
      %dma_wait3A_154 = arith.constant 0 : i32
      %dma_wait3A_155 = tpu.memref_slice %arg14[%dma_wait3A_153, %dma_wait3A_154] : memref<10112x128xf32, #tpu.memory_space<vmem_shared>> -> memref<10112x128xf32, #tpu.memory_space<vmem_shared>>
      tpu.wait_indirect_dma semaphore(%arg18 : memref<!tpu.dma_semaphore, #tpu.memory_space<semaphore_mem>>) src(%arg11 : memref<80x128xf32, #tpu.memory_space<vmem>>) dst(%dma_wait3A_155 : memref<10112x128xf32, #tpu.memory_space<vmem_shared>>)
      %lt3A = arith.constant 40 : i32
      %lt3A_156 = arith.cmpi slt, %scan3A_102, %lt3A : i32
      %convert_element_type3A = arith.extui %lt3A_156 : i1 to i32
      %cond3A = arith.constant 0 : i32
      %cond3A_157 = arith.cmpi ne, %convert_element_type3A, %cond3A : i32
      scf.if %cond3A_157 {
        %add3A_174 = arith.constant 3 : i32
        %add3A_175 = arith.addi %mul3A_104, %add3A_174 : i32
        %add3A_176 = arith.constant 0 : i32
        %add3A_177 = arith.addi %add3A_175, %add3A_176 : i32
        %mul3A_178 = arith.constant 80 : i32
        %mul3A_179 = arith.muli %add3A_177, %mul3A_178 : i32
        %add3A_180 = arith.addi %mul3A_2, %mul3A_179 : i32
        %dma_start3A_181 = tpu.memref_slice %arg3[%add3A_180] : memref<320000xi32, #tpu.memory_space<hbm>> -> memref<80xi32, #tpu.memory_space<hbm>>
        %dma_start3A_182 = tpu.memref_slice %arg3[%add3A_180] : memref<320000xi32, #tpu.memory_space<hbm>> -> memref<80xi32, #tpu.memory_space<hbm>>
        tpu.enqueue_dma source(%dma_start3A_182 : memref<80xi32, #tpu.memory_space<hbm>>) target(%arg8 : memref<80xi32, #tpu.memory_space<vmem>>) target_semaphore(%arg15 : memref<!tpu.dma_semaphore, #tpu.memory_space<semaphore_mem>>)
        %dma_start3A_183 = arith.constant 0 : i32
        %dma_start3A_184 = tpu.memref_slice %arg7[%add3A_177, %dma_start3A_183] : memref<125x80xi32, #tpu.memory_space<vmem>> -> memref<1x80xi32, #tpu.memory_space<vmem>>
        %dma_start3A_185 = tpu.memref_squeeze %dma_start3A_184 : memref<1x80xi32, #tpu.memory_space<vmem>> -> memref<80xi32, #tpu.memory_space<vmem>>
        %dma_start3A_186 = arith.constant 0 : i32
        %dma_start3A_187 = arith.constant 0 : i32
        %dma_start3A_188 = tpu.memref_slice %arg4[%dma_start3A_186, %dma_start3A_187] : memref<10000x128xf32, #tpu.memory_space<hbm>> -> memref<10000x128xf32, #tpu.memory_space<hbm>>
        tpu.enqueue_indirect_dma source(%dma_start3A_188 : memref<10000x128xf32, #tpu.memory_space<hbm>>) target(%arg11 : memref<80x128xf32, #tpu.memory_space<vmem>>) offsets(%dma_start3A_185 : memref<80xi32, #tpu.memory_space<vmem>>) semaphore(%arg15 : memref<!tpu.dma_semaphore, #tpu.memory_space<semaphore_mem>>)
      } else {
      }
      %dma_wait3A_158 = arith.constant 0 : i32
      %dma_wait3A_159 = arith.constant 0 : i32
      %dma_wait3A_160 = tpu.memref_slice %arg14[%dma_wait3A_158, %dma_wait3A_159] : memref<10112x128xf32, #tpu.memory_space<vmem_shared>> -> memref<10112x128xf32, #tpu.memory_space<vmem_shared>>
      tpu.wait_indirect_dma semaphore(%arg19 : memref<!tpu.dma_semaphore, #tpu.memory_space<semaphore_mem>>) src(%arg12 : memref<80x128xf32, #tpu.memory_space<vmem>>) dst(%dma_wait3A_160 : memref<10112x128xf32, #tpu.memory_space<vmem_shared>>)
      %lt3A_161 = arith.constant 40 : i32
      %lt3A_162 = arith.cmpi slt, %scan3A_102, %lt3A_161 : i32
      %convert_element_type3A_163 = arith.extui %lt3A_162 : i1 to i32
      %cond3A_164 = arith.constant 0 : i32
      %cond3A_165 = arith.cmpi ne, %convert_element_type3A_163, %cond3A_164 : i32
      scf.if %cond3A_165 {
        %add3A_174 = arith.constant 3 : i32
        %add3A_175 = arith.addi %mul3A_104, %add3A_174 : i32
        %add3A_176 = arith.constant 1 : i32
        %add3A_177 = arith.addi %add3A_175, %add3A_176 : i32
        %mul3A_178 = arith.constant 80 : i32
        %mul3A_179 = arith.muli %add3A_177, %mul3A_178 : i32
        %add3A_180 = arith.addi %mul3A_2, %mul3A_179 : i32
        %dma_start3A_181 = tpu.memref_slice %arg3[%add3A_180] : memref<320000xi32, #tpu.memory_space<hbm>> -> memref<80xi32, #tpu.memory_space<hbm>>
        %dma_start3A_182 = tpu.memref_slice %arg3[%add3A_180] : memref<320000xi32, #tpu.memory_space<hbm>> -> memref<80xi32, #tpu.memory_space<hbm>>
        tpu.enqueue_dma source(%dma_start3A_182 : memref<80xi32, #tpu.memory_space<hbm>>) target(%arg9 : memref<80xi32, #tpu.memory_space<vmem>>) target_semaphore(%arg16 : memref<!tpu.dma_semaphore, #tpu.memory_space<semaphore_mem>>)
        %dma_start3A_183 = arith.constant 0 : i32
        %dma_start3A_184 = tpu.memref_slice %arg7[%add3A_177, %dma_start3A_183] : memref<125x80xi32, #tpu.memory_space<vmem>> -> memref<1x80xi32, #tpu.memory_space<vmem>>
        %dma_start3A_185 = tpu.memref_squeeze %dma_start3A_184 : memref<1x80xi32, #tpu.memory_space<vmem>> -> memref<80xi32, #tpu.memory_space<vmem>>
        %dma_start3A_186 = arith.constant 0 : i32
        %dma_start3A_187 = arith.constant 0 : i32
        %dma_start3A_188 = tpu.memref_slice %arg4[%dma_start3A_186, %dma_start3A_187] : memref<10000x128xf32, #tpu.memory_space<hbm>> -> memref<10000x128xf32, #tpu.memory_space<hbm>>
        tpu.enqueue_indirect_dma source(%dma_start3A_188 : memref<10000x128xf32, #tpu.memory_space<hbm>>) target(%arg12 : memref<80x128xf32, #tpu.memory_space<vmem>>) offsets(%dma_start3A_185 : memref<80xi32, #tpu.memory_space<vmem>>) semaphore(%arg16 : memref<!tpu.dma_semaphore, #tpu.memory_space<semaphore_mem>>)
      } else {
      }
      %dma_wait3A_166 = arith.constant 0 : i32
      %dma_wait3A_167 = arith.constant 0 : i32
      %dma_wait3A_168 = tpu.memref_slice %arg14[%dma_wait3A_166, %dma_wait3A_167] : memref<10112x128xf32, #tpu.memory_space<vmem_shared>> -> memref<10112x128xf32, #tpu.memory_space<vmem_shared>>
      tpu.wait_indirect_dma semaphore(%arg20 : memref<!tpu.dma_semaphore, #tpu.memory_space<semaphore_mem>>) src(%arg13 : memref<80x128xf32, #tpu.memory_space<vmem>>) dst(%dma_wait3A_168 : memref<10112x128xf32, #tpu.memory_space<vmem_shared>>)
      %lt3A_169 = arith.constant 40 : i32
      %lt3A_170 = arith.cmpi slt, %scan3A_102, %lt3A_169 : i32
      %convert_element_type3A_171 = arith.extui %lt3A_170 : i1 to i32
      %cond3A_172 = arith.constant 0 : i32
      %cond3A_173 = arith.cmpi ne, %convert_element_type3A_171, %cond3A_172 : i32
      scf.if %cond3A_173 {
        %add3A_174 = arith.constant 3 : i32
        %add3A_175 = arith.addi %mul3A_104, %add3A_174 : i32
        %add3A_176 = arith.constant 2 : i32
        %add3A_177 = arith.addi %add3A_175, %add3A_176 : i32
        %mul3A_178 = arith.constant 80 : i32
        %mul3A_179 = arith.muli %add3A_177, %mul3A_178 : i32
        %add3A_180 = arith.addi %mul3A_2, %mul3A_179 : i32
        %dma_start3A_181 = tpu.memref_slice %arg3[%add3A_180] : memref<320000xi32, #tpu.memory_space<hbm>> -> memref<80xi32, #tpu.memory_space<hbm>>
        %dma_start3A_182 = tpu.memref_slice %arg3[%add3A_180] : memref<320000xi32, #tpu.memory_space<hbm>> -> memref<80xi32, #tpu.memory_space<hbm>>
        tpu.enqueue_dma source(%dma_start3A_182 : memref<80xi32, #tpu.memory_space<hbm>>) target(%arg10 : memref<80xi32, #tpu.memory_space<vmem>>) target_semaphore(%arg17 : memref<!tpu.dma_semaphore, #tpu.memory_space<semaphore_mem>>)
        %dma_start3A_183 = arith.constant 0 : i32
        %dma_start3A_184 = tpu.memref_slice %arg7[%add3A_177, %dma_start3A_183] : memref<125x80xi32, #tpu.memory_space<vmem>> -> memref<1x80xi32, #tpu.memory_space<vmem>>
        %dma_start3A_185 = tpu.memref_squeeze %dma_start3A_184 : memref<1x80xi32, #tpu.memory_space<vmem>> -> memref<80xi32, #tpu.memory_space<vmem>>
        %dma_start3A_186 = arith.constant 0 : i32
        %dma_start3A_187 = arith.constant 0 : i32
        %dma_start3A_188 = tpu.memref_slice %arg4[%dma_start3A_186, %dma_start3A_187] : memref<10000x128xf32, #tpu.memory_space<hbm>> -> memref<10000x128xf32, #tpu.memory_space<hbm>>
        tpu.enqueue_indirect_dma source(%dma_start3A_188 : memref<10000x128xf32, #tpu.memory_space<hbm>>) target(%arg13 : memref<80x128xf32, #tpu.memory_space<vmem>>) offsets(%dma_start3A_185 : memref<80xi32, #tpu.memory_space<vmem>>) semaphore(%arg17 : memref<!tpu.dma_semaphore, #tpu.memory_space<semaphore_mem>>)
      } else {
      }
    }
    %scan3A_41 = arith.constant 41 : i32
    %add3A_42 = arith.constant 9840 : i32
    %add3A_43 = arith.addi %mul3A_2, %add3A_42 : i32
    %dma_start3A_44 = tpu.memref_slice %arg3[%add3A_43] : memref<320000xi32, #tpu.memory_space<hbm>> -> memref<80xi32, #tpu.memory_space<hbm>>
    %dma_start3A_45 = tpu.memref_slice %arg3[%add3A_43] : memref<320000xi32, #tpu.memory_space<hbm>> -> memref<80xi32, #tpu.memory_space<hbm>>
    tpu.enqueue_dma source(%dma_start3A_45 : memref<80xi32, #tpu.memory_space<hbm>>) target(%arg8 : memref<80xi32, #tpu.memory_space<vmem>>) target_semaphore(%arg15 : memref<!tpu.dma_semaphore, #tpu.memory_space<semaphore_mem>>)
    %dma_start3A_46 = arith.constant 123 : i32
    %dma_start3A_47 = arith.constant 0 : i32
    %dma_start3A_48 = tpu.memref_slice %arg7[%dma_start3A_46, %dma_start3A_47] : memref<125x80xi32, #tpu.memory_space<vmem>> -> memref<1x80xi32, #tpu.memory_space<vmem>>
    %dma_start3A_49 = tpu.memref_squeeze %dma_start3A_48 : memref<1x80xi32, #tpu.memory_space<vmem>> -> memref<80xi32, #tpu.memory_space<vmem>>
    %dma_start3A_50 = arith.constant 0 : i32
    %dma_start3A_51 = arith.constant 0 : i32
    %dma_start3A_52 = tpu.memref_slice %arg4[%dma_start3A_50, %dma_start3A_51] : memref<10000x128xf32, #tpu.memory_space<hbm>> -> memref<10000x128xf32, #tpu.memory_space<hbm>>
    tpu.enqueue_indirect_dma source(%dma_start3A_52 : memref<10000x128xf32, #tpu.memory_space<hbm>>) target(%arg11 : memref<80x128xf32, #tpu.memory_space<vmem>>) offsets(%dma_start3A_49 : memref<80xi32, #tpu.memory_space<vmem>>) semaphore(%arg15 : memref<!tpu.dma_semaphore, #tpu.memory_space<semaphore_mem>>)
    %add3A_53 = arith.constant 9840 : i32
    %add3A_54 = arith.addi %mul3A_2, %add3A_53 : i32
    %dma_wait3A = tpu.memref_slice %arg3[%add3A_54] : memref<320000xi32, #tpu.memory_space<hbm>> -> memref<80xi32, #tpu.memory_space<hbm>>
    %dma_wait3A_55 = tpu.memref_slice %arg3[%add3A_54] : memref<320000xi32, #tpu.memory_space<hbm>> -> memref<80xi32, #tpu.memory_space<hbm>>
    tpu.wait_dma2 semaphore(%arg15 : memref<!tpu.dma_semaphore, #tpu.memory_space<semaphore_mem>>) src(%dma_wait3A_55 : memref<80xi32, #tpu.memory_space<hbm>>) dst(%arg8 : memref<80xi32, #tpu.memory_space<vmem>>)
    %dma_wait3A_56 = arith.constant 123 : i32
    %dma_wait3A_57 = arith.constant 0 : i32
    %dma_wait3A_58 = tpu.memref_slice %arg7[%dma_wait3A_56, %dma_wait3A_57] : memref<125x80xi32, #tpu.memory_space<vmem>> -> memref<1x80xi32, #tpu.memory_space<vmem>>
    %dma_wait3A_59 = tpu.memref_squeeze %dma_wait3A_58 : memref<1x80xi32, #tpu.memory_space<vmem>> -> memref<80xi32, #tpu.memory_space<vmem>>
    %dma_wait3A_60 = arith.constant 0 : i32
    %dma_wait3A_61 = arith.constant 0 : i32
    %dma_wait3A_62 = tpu.memref_slice %arg4[%dma_wait3A_60, %dma_wait3A_61] : memref<10000x128xf32, #tpu.memory_space<hbm>> -> memref<10000x128xf32, #tpu.memory_space<hbm>>
    tpu.wait_indirect_dma semaphore(%arg15 : memref<!tpu.dma_semaphore, #tpu.memory_space<semaphore_mem>>) src(%dma_wait3A_62 : memref<10000x128xf32, #tpu.memory_space<hbm>>) dst(%arg11 : memref<80x128xf32, #tpu.memory_space<vmem>>)
    %dma_start3A_63 = arith.constant 0 : i32
    %dma_start3A_64 = arith.constant 0 : i32
    %dma_start3A_65 = tpu.memref_slice %arg14[%dma_start3A_63, %dma_start3A_64] : memref<10112x128xf32, #tpu.memory_space<vmem_shared>> -> memref<10112x128xf32, #tpu.memory_space<vmem_shared>>
    tpu.enqueue_indirect_dma source(%arg11 : memref<80x128xf32, #tpu.memory_space<vmem>>) target(%dma_start3A_65 : memref<10112x128xf32, #tpu.memory_space<vmem_shared>>) offsets(%arg8 : memref<80xi32, #tpu.memory_space<vmem>>) semaphore(%arg18 : memref<!tpu.dma_semaphore, #tpu.memory_space<semaphore_mem>>) {add = true}
    %dma_wait3A_66 = arith.constant 0 : i32
    %dma_wait3A_67 = arith.constant 0 : i32
    %dma_wait3A_68 = tpu.memref_slice %arg14[%dma_wait3A_66, %dma_wait3A_67] : memref<10112x128xf32, #tpu.memory_space<vmem_shared>> -> memref<10112x128xf32, #tpu.memory_space<vmem_shared>>
    tpu.wait_indirect_dma semaphore(%arg18 : memref<!tpu.dma_semaphore, #tpu.memory_space<semaphore_mem>>) src(%arg11 : memref<80x128xf32, #tpu.memory_space<vmem>>) dst(%dma_wait3A_68 : memref<10112x128xf32, #tpu.memory_space<vmem_shared>>)
    %add3A_69 = arith.constant 9920 : i32
    %add3A_70 = arith.addi %mul3A_2, %add3A_69 : i32
    %dma_start3A_71 = tpu.memref_slice %arg3[%add3A_70] : memref<320000xi32, #tpu.memory_space<hbm>> -> memref<80xi32, #tpu.memory_space<hbm>>
    %dma_start3A_72 = tpu.memref_slice %arg3[%add3A_70] : memref<320000xi32, #tpu.memory_space<hbm>> -> memref<80xi32, #tpu.memory_space<hbm>>
    tpu.enqueue_dma source(%dma_start3A_72 : memref<80xi32, #tpu.memory_space<hbm>>) target(%arg9 : memref<80xi32, #tpu.memory_space<vmem>>) target_semaphore(%arg16 : memref<!tpu.dma_semaphore, #tpu.memory_space<semaphore_mem>>)
    %dma_start3A_73 = arith.constant 124 : i32
    %dma_start3A_74 = arith.constant 0 : i32
    %dma_start3A_75 = tpu.memref_slice %arg7[%dma_start3A_73, %dma_start3A_74] : memref<125x80xi32, #tpu.memory_space<vmem>> -> memref<1x80xi32, #tpu.memory_space<vmem>>
    %dma_start3A_76 = tpu.memref_squeeze %dma_start3A_75 : memref<1x80xi32, #tpu.memory_space<vmem>> -> memref<80xi32, #tpu.memory_space<vmem>>
    %dma_start3A_77 = arith.constant 0 : i32
    %dma_start3A_78 = arith.constant 0 : i32
    %dma_start3A_79 = tpu.memref_slice %arg4[%dma_start3A_77, %dma_start3A_78] : memref<10000x128xf32, #tpu.memory_space<hbm>> -> memref<10000x128xf32, #tpu.memory_space<hbm>>
    tpu.enqueue_indirect_dma source(%dma_start3A_79 : memref<10000x128xf32, #tpu.memory_space<hbm>>) target(%arg12 : memref<80x128xf32, #tpu.memory_space<vmem>>) offsets(%dma_start3A_76 : memref<80xi32, #tpu.memory_space<vmem>>) semaphore(%arg16 : memref<!tpu.dma_semaphore, #tpu.memory_space<semaphore_mem>>)
    %add3A_80 = arith.constant 9920 : i32
    %add3A_81 = arith.addi %mul3A_2, %add3A_80 : i32
    %dma_wait3A_82 = tpu.memref_slice %arg3[%add3A_81] : memref<320000xi32, #tpu.memory_space<hbm>> -> memref<80xi32, #tpu.memory_space<hbm>>
    %dma_wait3A_83 = tpu.memref_slice %arg3[%add3A_81] : memref<320000xi32, #tpu.memory_space<hbm>> -> memref<80xi32, #tpu.memory_space<hbm>>
    tpu.wait_dma2 semaphore(%arg16 : memref<!tpu.dma_semaphore, #tpu.memory_space<semaphore_mem>>) src(%dma_wait3A_83 : memref<80xi32, #tpu.memory_space<hbm>>) dst(%arg9 : memref<80xi32, #tpu.memory_space<vmem>>)
    %dma_wait3A_84 = arith.constant 124 : i32
    %dma_wait3A_85 = arith.constant 0 : i32
    %dma_wait3A_86 = tpu.memref_slice %arg7[%dma_wait3A_84, %dma_wait3A_85] : memref<125x80xi32, #tpu.memory_space<vmem>> -> memref<1x80xi32, #tpu.memory_space<vmem>>
    %dma_wait3A_87 = tpu.memref_squeeze %dma_wait3A_86 : memref<1x80xi32, #tpu.memory_space<vmem>> -> memref<80xi32, #tpu.memory_space<vmem>>
    %dma_wait3A_88 = arith.constant 0 : i32
    %dma_wait3A_89 = arith.constant 0 : i32
    %dma_wait3A_90 = tpu.memref_slice %arg4[%dma_wait3A_88, %dma_wait3A_89] : memref<10000x128xf32, #tpu.memory_space<hbm>> -> memref<10000x128xf32, #tpu.memory_space<hbm>>
    tpu.wait_indirect_dma semaphore(%arg16 : memref<!tpu.dma_semaphore, #tpu.memory_space<semaphore_mem>>) src(%dma_wait3A_90 : memref<10000x128xf32, #tpu.memory_space<hbm>>) dst(%arg12 : memref<80x128xf32, #tpu.memory_space<vmem>>)
    %dma_start3A_91 = arith.constant 0 : i32
    %dma_start3A_92 = arith.constant 0 : i32
    %dma_start3A_93 = tpu.memref_slice %arg14[%dma_start3A_91, %dma_start3A_92] : memref<10112x128xf32, #tpu.memory_space<vmem_shared>> -> memref<10112x128xf32, #tpu.memory_space<vmem_shared>>
    tpu.enqueue_indirect_dma source(%arg12 : memref<80x128xf32, #tpu.memory_space<vmem>>) target(%dma_start3A_93 : memref<10112x128xf32, #tpu.memory_space<vmem_shared>>) offsets(%arg9 : memref<80xi32, #tpu.memory_space<vmem>>) semaphore(%arg19 : memref<!tpu.dma_semaphore, #tpu.memory_space<semaphore_mem>>) {add = true}
    %dma_wait3A_94 = arith.constant 0 : i32
    %dma_wait3A_95 = arith.constant 0 : i32
    %dma_wait3A_96 = tpu.memref_slice %arg14[%dma_wait3A_94, %dma_wait3A_95] : memref<10112x128xf32, #tpu.memory_space<vmem_shared>> -> memref<10112x128xf32, #tpu.memory_space<vmem_shared>>
    tpu.wait_indirect_dma semaphore(%arg19 : memref<!tpu.dma_semaphore, #tpu.memory_space<semaphore_mem>>) src(%arg12 : memref<80x128xf32, #tpu.memory_space<vmem>>) dst(%dma_wait3A_96 : memref<10112x128xf32, #tpu.memory_space<vmem_shared>>)
    %barrier3A_97 = arith.constant 0 : index
    tpu.barrier barrier_id(%barrier3A_97)
    %mul3A_98 = arith.constant 632 : i32
    %mul3A_99 = arith.muli %arg1, %mul3A_98 : i32
    %mul3A_100 = arith.constant 632 : i32
    %mul3A_101 = arith.muli %arg1, %mul3A_100 : i32
    "tpu.region"() ({
      %run_scoped3A_102 = tpu.sem_alloc : memref<!tpu.dma_semaphore, #tpu.memory_space<semaphore_mem>>
      %dma_start3A_103 = arith.constant 0 : i32
      %dma_start3A_104 = tpu.memref_slice %arg6[%arg0, %mul3A_101, %dma_start3A_103] : memref<2x10112x128xf32, #tpu.memory_space<hbm>> -> memref<1x632x128xf32, #tpu.memory_space<hbm>>
      %dma_start3A_105 = tpu.memref_squeeze %dma_start3A_104 : memref<1x632x128xf32, #tpu.memory_space<hbm>> -> memref<632x128xf32, #tpu.memory_space<hbm>>
      %dma_start3A_106 = arith.constant 0 : i32
      %dma_start3A_107 = tpu.memref_slice %arg14[%mul3A_99, %dma_start3A_106] : memref<10112x128xf32, #tpu.memory_space<vmem_shared>> -> memref<632x128xf32, #tpu.memory_space<vmem_shared>>
      tpu.enqueue_dma source(%dma_start3A_107 : memref<632x128xf32, #tpu.memory_space<vmem_shared>>) target(%dma_start3A_105 : memref<632x128xf32, #tpu.memory_space<hbm>>) target_semaphore(%run_scoped3A_102 : memref<!tpu.dma_semaphore, #tpu.memory_space<semaphore_mem>>)
      %dma_wait3A_108 = arith.constant 0 : i32
      %dma_wait3A_109 = tpu.memref_slice %arg6[%arg0, %mul3A_101, %dma_wait3A_108] : memref<2x10112x128xf32, #tpu.memory_space<hbm>> -> memref<1x632x128xf32, #tpu.memory_space<hbm>>
      %dma_wait3A_110 = tpu.memref_squeeze %dma_wait3A_109 : memref<1x632x128xf32, #tpu.memory_space<hbm>> -> memref<632x128xf32, #tpu.memory_space<hbm>>
      %dma_wait3A_111 = arith.constant 0 : i32
      %dma_wait3A_112 = tpu.memref_slice %arg14[%mul3A_99, %dma_wait3A_111] : memref<10112x128xf32, #tpu.memory_space<vmem_shared>> -> memref<632x128xf32, #tpu.memory_space<vmem_shared>>
      tpu.wait_dma2 semaphore(%run_scoped3A_102 : memref<!tpu.dma_semaphore, #tpu.memory_space<semaphore_mem>>) src(%dma_wait3A_112 : memref<632x128xf32, #tpu.memory_space<vmem_shared>>) dst(%dma_wait3A_110 : memref<632x128xf32, #tpu.memory_space<hbm>>)
      tpu.yield
    }) : () -> ()
    return
  }
}

#map = affine_map<(d0, d1) -> (0, 0, 0, 0)>
#map1 = affine_map<(d0, d1) -> (0)>
module attributes {stable_mosaic.version = 14 : i64} {
  func.func @_sc_degree(%arg0: i32, %arg1: i32, %arg2: memref<2x32x125x80xi32, #tpu.memory_space<hbm>>, %arg3: memref<80xf32, #tpu.memory_space<hbm>>, %arg4: memref<10240xf32, #tpu.memory_space<hbm>>, %arg5: memref<10240xf32, #tpu.memory_space<hbm>>, %arg6: memref<10240xf32, #tpu.memory_space<hbm>>, %arg7: memref<125x80xi32, #tpu.memory_space<vmem>>, %arg8: memref<80xf32, #tpu.memory_space<vmem>>, %arg9: memref<10240xf32, #tpu.memory_space<vmem_shared>>, %arg10: memref<!tpu.dma_semaphore, #tpu.memory_space<semaphore_mem>>) attributes {dimension_semantics = [#tpu.dimension_semantics<core_parallel>, #tpu.dimension_semantics<subcore_parallel>], iteration_bounds = array<i64: 2, 16>, scalar_prefetch = 0 : i64, scratch_operands = 4 : i64, tpu.core_type = #tpu.core_type<sc_vector_subcore>, window_params = [{transform_indices = #map}, {transform_indices = #map1}, {transform_indices = #map1}, {transform_indices = #map1}, {transform_indices = #map1}]} {
    %mul3A = arith.constant 16 : i32
    %mul3A_0 = arith.muli %arg0, %mul3A : i32
    %add3A = arith.addi %mul3A_0, %arg1 : i32
    %mul3A_1 = arith.constant 640 : i32
    %mul3A_2 = arith.muli %arg1, %mul3A_1 : i32
    %mul3A_3 = arith.constant 640 : i32
    %mul3A_4 = arith.muli %arg1, %mul3A_3 : i32
    "tpu.region"() ({
      %run_scoped3A_24 = tpu.sem_alloc : memref<!tpu.dma_semaphore, #tpu.memory_space<semaphore_mem>>
      %dma_start3A = tpu.memref_slice %arg9[%mul3A_4] : memref<10240xf32, #tpu.memory_space<vmem_shared>> -> memref<640xf32, #tpu.memory_space<vmem_shared>>
      %dma_start3A_25 = tpu.memref_slice %arg4[%mul3A_2] : memref<10240xf32, #tpu.memory_space<hbm>> -> memref<640xf32, #tpu.memory_space<hbm>>
      tpu.enqueue_dma source(%dma_start3A_25 : memref<640xf32, #tpu.memory_space<hbm>>) target(%dma_start3A : memref<640xf32, #tpu.memory_space<vmem_shared>>) target_semaphore(%run_scoped3A_24 : memref<!tpu.dma_semaphore, #tpu.memory_space<semaphore_mem>>)
      %dma_wait3A = tpu.memref_slice %arg9[%mul3A_4] : memref<10240xf32, #tpu.memory_space<vmem_shared>> -> memref<640xf32, #tpu.memory_space<vmem_shared>>
      %dma_wait3A_26 = tpu.memref_slice %arg4[%mul3A_2] : memref<10240xf32, #tpu.memory_space<hbm>> -> memref<640xf32, #tpu.memory_space<hbm>>
      tpu.wait_dma2 semaphore(%run_scoped3A_24 : memref<!tpu.dma_semaphore, #tpu.memory_space<semaphore_mem>>) src(%dma_wait3A_26 : memref<640xf32, #tpu.memory_space<hbm>>) dst(%dma_wait3A : memref<640xf32, #tpu.memory_space<vmem_shared>>)
      tpu.yield
    }) : () -> ()
    %run_scoped3A = arith.constant 1 : i32
    "tpu.region"() ({
      %run_scoped3A_24 = tpu.sem_alloc : memref<!tpu.dma_semaphore, #tpu.memory_space<semaphore_mem>>
      %dma_start3A = arith.constant 0 : i32
      %dma_start3A_25 = arith.constant 0 : i32
      %dma_start3A_26 = tpu.memref_slice %arg2[%run_scoped3A, %add3A, %dma_start3A, %dma_start3A_25] : memref<2x32x125x80xi32, #tpu.memory_space<hbm>> -> memref<1x1x125x80xi32, #tpu.memory_space<hbm>>
      %dma_start3A_27 = tpu.memref_squeeze %dma_start3A_26 : memref<1x1x125x80xi32, #tpu.memory_space<hbm>> -> memref<125x80xi32, #tpu.memory_space<hbm>>
      %dma_start3A_28 = arith.constant 0 : i32
      %dma_start3A_29 = arith.constant 0 : i32
      %dma_start3A_30 = tpu.memref_slice %arg2[%run_scoped3A, %add3A, %dma_start3A_28, %dma_start3A_29] : memref<2x32x125x80xi32, #tpu.memory_space<hbm>> -> memref<1x1x125x80xi32, #tpu.memory_space<hbm>>
      %dma_start3A_31 = tpu.memref_squeeze %dma_start3A_30 : memref<1x1x125x80xi32, #tpu.memory_space<hbm>> -> memref<125x80xi32, #tpu.memory_space<hbm>>
      tpu.enqueue_dma source(%dma_start3A_31 : memref<125x80xi32, #tpu.memory_space<hbm>>) target(%arg7 : memref<125x80xi32, #tpu.memory_space<vmem>>) target_semaphore(%run_scoped3A_24 : memref<!tpu.dma_semaphore, #tpu.memory_space<semaphore_mem>>)
      %dma_wait3A = arith.constant 0 : i32
      %dma_wait3A_32 = arith.constant 0 : i32
      %dma_wait3A_33 = tpu.memref_slice %arg2[%run_scoped3A, %add3A, %dma_wait3A, %dma_wait3A_32] : memref<2x32x125x80xi32, #tpu.memory_space<hbm>> -> memref<1x1x125x80xi32, #tpu.memory_space<hbm>>
      %dma_wait3A_34 = tpu.memref_squeeze %dma_wait3A_33 : memref<1x1x125x80xi32, #tpu.memory_space<hbm>> -> memref<125x80xi32, #tpu.memory_space<hbm>>
      %dma_wait3A_35 = arith.constant 0 : i32
      %dma_wait3A_36 = arith.constant 0 : i32
      %dma_wait3A_37 = tpu.memref_slice %arg2[%run_scoped3A, %add3A, %dma_wait3A_35, %dma_wait3A_36] : memref<2x32x125x80xi32, #tpu.memory_space<hbm>> -> memref<1x1x125x80xi32, #tpu.memory_space<hbm>>
      %dma_wait3A_38 = tpu.memref_squeeze %dma_wait3A_37 : memref<1x1x125x80xi32, #tpu.memory_space<hbm>> -> memref<125x80xi32, #tpu.memory_space<hbm>>
      tpu.wait_dma2 semaphore(%run_scoped3A_24 : memref<!tpu.dma_semaphore, #tpu.memory_space<semaphore_mem>>) src(%dma_wait3A_38 : memref<125x80xi32, #tpu.memory_space<hbm>>) dst(%arg7 : memref<125x80xi32, #tpu.memory_space<vmem>>)
      tpu.yield
    }) : () -> ()
    "tpu.region"() ({
      %run_scoped3A_24 = tpu.sem_alloc : memref<!tpu.dma_semaphore, #tpu.memory_space<semaphore_mem>>
      tpu.enqueue_dma source(%arg3 : memref<80xf32, #tpu.memory_space<hbm>>) target(%arg8 : memref<80xf32, #tpu.memory_space<vmem>>) target_semaphore(%run_scoped3A_24 : memref<!tpu.dma_semaphore, #tpu.memory_space<semaphore_mem>>)
      tpu.wait_dma2 semaphore(%run_scoped3A_24 : memref<!tpu.dma_semaphore, #tpu.memory_space<semaphore_mem>>) src(%arg3 : memref<80xf32, #tpu.memory_space<hbm>>) dst(%arg8 : memref<80xf32, #tpu.memory_space<vmem>>)
      tpu.yield
    }) : () -> ()
    %barrier3A = arith.constant 0 : index
    tpu.barrier barrier_id(%barrier3A)
    %scan3A = arith.constant 0 : i32
    %scan3A_5 = arith.constant 0 : i32
    %scan3A_6 = arith.constant 125 : i32
    %scan3A_7 = arith.addi %scan3A_5, %scan3A_6 : i32
    %scan3A_8 = arith.constant 1 : i32
    scf.for %scan3A_24 = %scan3A_5 to %scan3A_7 step %scan3A_8  : i32 {
      %dma_start3A = arith.constant 0 : i32
      %dma_start3A_25 = tpu.memref_slice %arg7[%scan3A_24, %dma_start3A] : memref<125x80xi32, #tpu.memory_space<vmem>> -> memref<1x80xi32, #tpu.memory_space<vmem>>
      %dma_start3A_26 = tpu.memref_squeeze %dma_start3A_25 : memref<1x80xi32, #tpu.memory_space<vmem>> -> memref<80xi32, #tpu.memory_space<vmem>>
      %dma_start3A_27 = arith.constant 0 : i32
      %dma_start3A_28 = tpu.memref_slice %arg9[%dma_start3A_27] : memref<10240xf32, #tpu.memory_space<vmem_shared>> -> memref<10240xf32, #tpu.memory_space<vmem_shared>>
      tpu.enqueue_indirect_dma source(%arg8 : memref<80xf32, #tpu.memory_space<vmem>>) target(%dma_start3A_28 : memref<10240xf32, #tpu.memory_space<vmem_shared>>) offsets(%dma_start3A_26 : memref<80xi32, #tpu.memory_space<vmem>>) semaphore(%arg10 : memref<!tpu.dma_semaphore, #tpu.memory_space<semaphore_mem>>) {add = true}
    }
    %scan3A_9 = arith.constant 125 : i32
    %scan3A_10 = arith.constant 0 : i32
    %scan3A_11 = arith.constant 0 : i32
    %scan3A_12 = arith.constant 125 : i32
    %scan3A_13 = arith.addi %scan3A_11, %scan3A_12 : i32
    %scan3A_14 = arith.constant 1 : i32
    scf.for %scan3A_24 = %scan3A_11 to %scan3A_13 step %scan3A_14  : i32 {
      %dma_wait3A = arith.constant 0 : i32
      %dma_wait3A_25 = tpu.memref_slice %arg7[%scan3A_24, %dma_wait3A] : memref<125x80xi32, #tpu.memory_space<vmem>> -> memref<1x80xi32, #tpu.memory_space<vmem>>
      %dma_wait3A_26 = tpu.memref_squeeze %dma_wait3A_25 : memref<1x80xi32, #tpu.memory_space<vmem>> -> memref<80xi32, #tpu.memory_space<vmem>>
      %dma_wait3A_27 = arith.constant 0 : i32
      %dma_wait3A_28 = tpu.memref_slice %arg9[%dma_wait3A_27] : memref<10240xf32, #tpu.memory_space<vmem_shared>> -> memref<10240xf32, #tpu.memory_space<vmem_shared>>
      tpu.wait_indirect_dma semaphore(%arg10 : memref<!tpu.dma_semaphore, #tpu.memory_space<semaphore_mem>>) src(%arg8 : memref<80xf32, #tpu.memory_space<vmem>>) dst(%dma_wait3A_28 : memref<10240xf32, #tpu.memory_space<vmem_shared>>)
    }
    %scan3A_15 = arith.constant 125 : i32
    %barrier3A_16 = arith.constant 0 : index
    tpu.barrier barrier_id(%barrier3A_16)
    %eq3A = arith.constant 0 : i32
    %eq3A_17 = arith.cmpi eq, %arg0, %eq3A : i32
    %convert_element_type3A = arith.extui %eq3A_17 : i1 to i32
    %cond3A = arith.constant 0 : i32
    %cond3A_18 = arith.cmpi ne, %convert_element_type3A, %cond3A : i32
    scf.if %cond3A_18 {
      %mul3A_24 = arith.constant 640 : i32
      %mul3A_25 = arith.muli %arg1, %mul3A_24 : i32
      %mul3A_26 = arith.constant 640 : i32
      %mul3A_27 = arith.muli %arg1, %mul3A_26 : i32
      "tpu.region"() ({
        %run_scoped3A_28 = tpu.sem_alloc : memref<!tpu.dma_semaphore, #tpu.memory_space<semaphore_mem>>
        %dma_start3A = tpu.memref_slice %arg5[%mul3A_27] : memref<10240xf32, #tpu.memory_space<hbm>> -> memref<640xf32, #tpu.memory_space<hbm>>
        %dma_start3A_29 = tpu.memref_slice %arg9[%mul3A_25] : memref<10240xf32, #tpu.memory_space<vmem_shared>> -> memref<640xf32, #tpu.memory_space<vmem_shared>>
        tpu.enqueue_dma source(%dma_start3A_29 : memref<640xf32, #tpu.memory_space<vmem_shared>>) target(%dma_start3A : memref<640xf32, #tpu.memory_space<hbm>>) target_semaphore(%run_scoped3A_28 : memref<!tpu.dma_semaphore, #tpu.memory_space<semaphore_mem>>)
        %dma_wait3A = tpu.memref_slice %arg5[%mul3A_27] : memref<10240xf32, #tpu.memory_space<hbm>> -> memref<640xf32, #tpu.memory_space<hbm>>
        %dma_wait3A_30 = tpu.memref_slice %arg9[%mul3A_25] : memref<10240xf32, #tpu.memory_space<vmem_shared>> -> memref<640xf32, #tpu.memory_space<vmem_shared>>
        tpu.wait_dma2 semaphore(%run_scoped3A_28 : memref<!tpu.dma_semaphore, #tpu.memory_space<semaphore_mem>>) src(%dma_wait3A_30 : memref<640xf32, #tpu.memory_space<vmem_shared>>) dst(%dma_wait3A : memref<640xf32, #tpu.memory_space<hbm>>)
        tpu.yield
      }) : () -> ()
    } else {
    }
    %eq3A_19 = arith.constant 1 : i32
    %eq3A_20 = arith.cmpi eq, %arg0, %eq3A_19 : i32
    %convert_element_type3A_21 = arith.extui %eq3A_20 : i1 to i32
    %cond3A_22 = arith.constant 0 : i32
    %cond3A_23 = arith.cmpi ne, %convert_element_type3A_21, %cond3A_22 : i32
    scf.if %cond3A_23 {
      %mul3A_24 = arith.constant 640 : i32
      %mul3A_25 = arith.muli %arg1, %mul3A_24 : i32
      %mul3A_26 = arith.constant 640 : i32
      %mul3A_27 = arith.muli %arg1, %mul3A_26 : i32
      "tpu.region"() ({
        %run_scoped3A_28 = tpu.sem_alloc : memref<!tpu.dma_semaphore, #tpu.memory_space<semaphore_mem>>
        %dma_start3A = tpu.memref_slice %arg6[%mul3A_27] : memref<10240xf32, #tpu.memory_space<hbm>> -> memref<640xf32, #tpu.memory_space<hbm>>
        %dma_start3A_29 = tpu.memref_slice %arg9[%mul3A_25] : memref<10240xf32, #tpu.memory_space<vmem_shared>> -> memref<640xf32, #tpu.memory_space<vmem_shared>>
        tpu.enqueue_dma source(%dma_start3A_29 : memref<640xf32, #tpu.memory_space<vmem_shared>>) target(%dma_start3A : memref<640xf32, #tpu.memory_space<hbm>>) target_semaphore(%run_scoped3A_28 : memref<!tpu.dma_semaphore, #tpu.memory_space<semaphore_mem>>)
        %dma_wait3A = tpu.memref_slice %arg6[%mul3A_27] : memref<10240xf32, #tpu.memory_space<hbm>> -> memref<640xf32, #tpu.memory_space<hbm>>
        %dma_wait3A_30 = tpu.memref_slice %arg9[%mul3A_25] : memref<10240xf32, #tpu.memory_space<vmem_shared>> -> memref<640xf32, #tpu.memory_space<vmem_shared>>
        tpu.wait_dma2 semaphore(%run_scoped3A_28 : memref<!tpu.dma_semaphore, #tpu.memory_space<semaphore_mem>>) src(%dma_wait3A_30 : memref<640xf32, #tpu.memory_space<vmem_shared>>) dst(%dma_wait3A : memref<640xf32, #tpu.memory_space<hbm>>)
        tpu.yield
      }) : () -> ()
    } else {
    }
    return
  }
}

module attributes {stable_mosaic.version = 14 : i64} {
  func.func @_tc_y_body(%arg0: i32, %arg1: memref<2000x128xf32, #tpu.memory_space<vmem>>, %arg2: memref<2000x1xf32, #tpu.memory_space<vmem>>, %arg3: memref<2000x1xf32, #tpu.memory_space<vmem>>, %arg4: memref<2000x128xf32, #tpu.memory_space<vmem>>) attributes {dimension_semantics = [#tpu.dimension_semantics<arbitrary>], iteration_bounds = array<i64: 5>, scalar_prefetch = 0 : i64, scratch_operands = 0 : i64, tpu.core_type = #tpu.core_type<tc>, window_params = [{transform_indices = @transform_0, window_bounds = array<i64: 2000, 128>}, {transform_indices = @transform_1, window_bounds = array<i64: 2000, 1>}, {transform_indices = @transform_2, window_bounds = array<i64: 2000, 1>}, {transform_indices = @transform_3, window_bounds = array<i64: 2000, 128>}]} {
    %get3A = arith.constant 0 : index
    %get3A_0 = arith.constant 0 : index
    %get3A_1 = vector.load %arg2[%get3A, %get3A_0] : memref<2000x1xf32, #tpu.memory_space<vmem>>, vector<2000x1xf32>
    %get3A_2 = arith.constant 0 : index
    %get3A_3 = arith.constant 0 : index
    %get3A_4 = vector.load %arg3[%get3A_2, %get3A_3] : memref<2000x1xf32, #tpu.memory_space<vmem>>, vector<2000x1xf32>
    %add3A = arith.addf %get3A_1, %get3A_4 : vector<2000x1xf32>
    %add3A_5 = arith.constant 1.000000e+00 : f32
    %add3A_6 = vector.broadcast %add3A_5 : f32 to vector<2000x1xf32>
    %add3A_7 = arith.addf %add3A, %add3A_6 : vector<2000x1xf32>
    %rsqrt3A = math.rsqrt %add3A_7 : vector<2000x1xf32>
    %get3A_8 = arith.constant 0 : index
    %get3A_9 = arith.constant 0 : index
    %get3A_10 = vector.load %arg1[%get3A_8, %get3A_9] : memref<2000x128xf32, #tpu.memory_space<vmem>>, vector<2000x128xf32>
    %mul3A = vector.broadcast %rsqrt3A : vector<2000x1xf32> to vector<2000x128xf32>
    %mul3A_11 = arith.mulf %get3A_10, %mul3A : vector<2000x128xf32>
    %swap3A = arith.constant 0 : index
    %swap3A_12 = arith.constant 0 : index
    %swap3A_13 = vector.load %arg4[%swap3A, %swap3A_12] : memref<2000x128xf32, #tpu.memory_space<vmem>>, vector<2000x128xf32>
    tpu.vector_store %arg4[%swap3A, %swap3A_12], %mul3A_11 {strides = array<i32>} : memref<2000x128xf32, #tpu.memory_space<vmem>>, vector<2000x128xf32>,
    return
  }
  func.func @transform_0(%arg0: i32) -> (i32, i32) {
    %c0_i32 = arith.constant 0 : i32
    %c0_i32_0 = arith.constant 0 : i32
    return %arg0, %c0_i32 : i32, i32
  }
  func.func @transform_1(%arg0: i32) -> (i32, i32) {
    %c0_i32 = arith.constant 0 : i32
    %c0_i32_0 = arith.constant 0 : i32
    return %arg0, %c0_i32 : i32, i32
  }
  func.func @transform_2(%arg0: i32) -> (i32, i32) {
    %c0_i32 = arith.constant 0 : i32
    %c0_i32_0 = arith.constant 0 : i32
    return %arg0, %c0_i32 : i32, i32
  }
  func.func @transform_3(%arg0: i32) -> (i32, i32) {
    %c0_i32 = arith.constant 0 : i32
    %c0_i32_0 = arith.constant 0 : i32
    return %arg0, %c0_i32 : i32, i32
  }
}

module attributes {stable_mosaic.version = 14 : i64} {
  func.func @_tc_out_body(%arg0: i32, %arg1: memref<2x2000x128xf32, #tpu.memory_space<vmem>>, %arg2: memref<2000x128xf32, #tpu.memory_space<vmem>>, %arg3: memref<2000x1xf32, #tpu.memory_space<vmem>>, %arg4: memref<2000x1xf32, #tpu.memory_space<vmem>>, %arg5: memref<128x128xf32, #tpu.memory_space<vmem>>, %arg6: memref<1x128xf32, #tpu.memory_space<vmem>>, %arg7: memref<2000x128xf32, #tpu.memory_space<vmem>>) attributes {dimension_semantics = [#tpu.dimension_semantics<arbitrary>], iteration_bounds = array<i64: 5>, scalar_prefetch = 0 : i64, scratch_operands = 0 : i64, tpu.core_type = #tpu.core_type<tc>, window_params = [{transform_indices = @transform_0, window_bounds = array<i64: 2, 2000, 128>}, {transform_indices = @transform_1, window_bounds = array<i64: 2000, 128>}, {transform_indices = @transform_2, window_bounds = array<i64: 2000, 1>}, {transform_indices = @transform_3, window_bounds = array<i64: 2000, 1>}, {pipeline_mode = #tpu.pipeline_mode<synchronous>, transform_indices = @transform_4, window_bounds = array<i64: 128, 128>}, {pipeline_mode = #tpu.pipeline_mode<synchronous>, transform_indices = @transform_5, window_bounds = array<i64: 1, 128>}, {transform_indices = @transform_6, window_bounds = array<i64: 2000, 128>}]} {
    %get3A = arith.constant 0 : index
    %get3A_0 = arith.constant 0 : index
    %get3A_1 = vector.load %arg3[%get3A, %get3A_0] : memref<2000x1xf32, #tpu.memory_space<vmem>>, vector<2000x1xf32>
    %get3A_2 = arith.constant 0 : index
    %get3A_3 = arith.constant 0 : index
    %get3A_4 = vector.load %arg4[%get3A_2, %get3A_3] : memref<2000x1xf32, #tpu.memory_space<vmem>>, vector<2000x1xf32>
    %add3A = arith.addf %get3A_1, %get3A_4 : vector<2000x1xf32>
    %add3A_5 = arith.constant 1.000000e+00 : f32
    %add3A_6 = vector.broadcast %add3A_5 : f32 to vector<2000x1xf32>
    %add3A_7 = arith.addf %add3A, %add3A_6 : vector<2000x1xf32>
    %rsqrt3A = math.rsqrt %add3A_7 : vector<2000x1xf32>
    %get3A_8 = arith.constant 0 : index
    %get3A_9 = arith.constant 0 : index
    %get3A_10 = arith.constant 0 : index
    %get3A_11 = vector.load %arg1[%get3A_8, %get3A_9, %get3A_10] : memref<2x2000x128xf32, #tpu.memory_space<vmem>>, vector<1x2000x128xf32>
    %get3A_12 = vector.shape_cast %get3A_11 : vector<1x2000x128xf32> to vector<2000x128xf32>
    %get3A_13 = arith.constant 1 : index
    %get3A_14 = arith.constant 0 : index
    %get3A_15 = arith.constant 0 : index
    %get3A_16 = vector.load %arg1[%get3A_13, %get3A_14, %get3A_15] : memref<2x2000x128xf32, #tpu.memory_space<vmem>>, vector<1x2000x128xf32>
    %get3A_17 = vector.shape_cast %get3A_16 : vector<1x2000x128xf32> to vector<2000x128xf32>
    %add3A_18 = arith.addf %get3A_12, %get3A_17 : vector<2000x128xf32>
    %mul3A = vector.broadcast %rsqrt3A : vector<2000x1xf32> to vector<2000x128xf32>
    %mul3A_19 = arith.mulf %add3A_18, %mul3A : vector<2000x128xf32>
    %get3A_20 = arith.constant 0 : index
    %get3A_21 = arith.constant 0 : index
    %get3A_22 = vector.load %arg2[%get3A_20, %get3A_21] : memref<2000x128xf32, #tpu.memory_space<vmem>>, vector<2000x128xf32>
    %mul3A_23 = arith.mulf %rsqrt3A, %rsqrt3A : vector<2000x1xf32>
    %mul3A_24 = vector.broadcast %mul3A_23 : vector<2000x1xf32> to vector<2000x128xf32>
    %mul3A_25 = arith.mulf %get3A_22, %mul3A_24 : vector<2000x128xf32>
    %add3A_26 = arith.addf %mul3A_19, %mul3A_25 : vector<2000x128xf32>
    %get3A_27 = arith.constant 0 : index
    %get3A_28 = arith.constant 0 : index
    %get3A_29 = vector.load %arg5[%get3A_27, %get3A_28] : memref<128x128xf32, #tpu.memory_space<vmem>>, vector<128x128xf32>
    %dot_general3A = arith.constant dense<0.000000e+00> : vector<2000x128xf32>
    %dot_general3A_30 = tpu.matmul %add3A_26, %get3A_29, %dot_general3A {dimension_numbers = #tpu.dot_dimension_numbers<[1], [0], [0], [1], [0, 0, 1, 1], [], []>, transpose_lhs_hint = false} : vector<2000x128xf32>, vector<128x128xf32>, vector<2000x128xf32> -> vector<2000x128xf32>
    %get3A_31 = arith.constant 0 : index
    %get3A_32 = arith.constant 0 : index
    %get3A_33 = vector.load %arg6[%get3A_31, %get3A_32] : memref<1x128xf32, #tpu.memory_space<vmem>>, vector<1x128xf32>
    %add3A_34 = vector.broadcast %get3A_33 : vector<1x128xf32> to vector<2000x128xf32>
    %add3A_35 = arith.addf %dot_general3A_30, %add3A_34 : vector<2000x128xf32>
    %swap3A = arith.constant 0 : index
    %swap3A_36 = arith.constant 0 : index
    %swap3A_37 = vector.load %arg7[%swap3A, %swap3A_36] : memref<2000x128xf32, #tpu.memory_space<vmem>>, vector<2000x128xf32>
    tpu.vector_store %arg7[%swap3A, %swap3A_36], %add3A_35 {strides = array<i32>} : memref<2000x128xf32, #tpu.memory_space<vmem>>, vector<2000x128xf32>,
    return
  }
  func.func @transform_0(%arg0: i32) -> (i32, i32, i32) {
    %c0_i32 = arith.constant 0 : i32
    %c0_i32_0 = arith.constant 0 : i32
    %c0_i32_1 = arith.constant 0 : i32
    return %c0_i32, %arg0, %c0_i32_0 : i32, i32, i32
  }
  func.func @transform_1(%arg0: i32) -> (i32, i32) {
    %c0_i32 = arith.constant 0 : i32
    %c0_i32_0 = arith.constant 0 : i32
    return %arg0, %c0_i32 : i32, i32
  }
  func.func @transform_2(%arg0: i32) -> (i32, i32) {
    %c0_i32 = arith.constant 0 : i32
    %c0_i32_0 = arith.constant 0 : i32
    return %arg0, %c0_i32 : i32, i32
  }
  func.func @transform_3(%arg0: i32) -> (i32, i32) {
    %c0_i32 = arith.constant 0 : i32
    %c0_i32_0 = arith.constant 0 : i32
    return %arg0, %c0_i32 : i32, i32
  }
  func.func @transform_4(%arg0: i32) -> (i32, i32) {
    %c0_i32 = arith.constant 0 : i32
    %c0_i32_0 = arith.constant 0 : i32
    %c0_i32_1 = arith.constant 0 : i32
    return %c0_i32, %c0_i32_0 : i32, i32
  }
  func.func @transform_5(%arg0: i32) -> (i32, i32) {
    %c0_i32 = arith.constant 0 : i32
    %c0_i32_0 = arith.constant 0 : i32
    %c0_i32_1 = arith.constant 0 : i32
    return %c0_i32, %c0_i32_0 : i32, i32
  }
  func.func @transform_6(%arg0: i32) -> (i32, i32) {
    %c0_i32 = arith.constant 0 : i32
    %c0_i32_0 = arith.constant 0 : i32
    return %arg0, %c0_i32 : i32, i32
  }
}

</mosaic_0001>

<sc_bundles>
// kernel: kernel.6.cloned.1.call-start
scs
__scs_entry_jumppad:
0x0: {  	(pc) =	sbr.rel $0x88, $3  }
0x1: {  	(tag) =	ssettag $0x0;
	lr =	simm.s32 $0x1  }
0x2: {  	[smem:$0x3F9D] =	sst lr;
	_ =	strace $0xD0000000  }
0x3: {  	_ = 	snop  }
0x4: {  	_ = 	snop  }
0x5: {  	_ = 	snop  }
0x6: {  	_ = 	snop  }
0x7: {  	_ = 	snop  }
__scs_overlays_trampoline_lowered:
0x8: {  	[smem:$0x3FAC] =	sst s0  }
0x9: {  	[smem:$0x3FAD] =	sst s1  }
0xa: {  	[smem:$0x3FAE] =	sst s2  }
0xb: {  	[smem:$0x3FAF] =	sst s3  }
0xc: {  	[smem:$0x3FB0] =	sst s4  }
0xd: {  	[smem:$0x3FB1] =	sst s5  }
0xe: {  	[smem:$0x3FB2] =	sst s6  }
0xf: {  	[smem:$0x3FB3] =	sst s7  }
0x10: {  	[smem:$0x3FB4] =	sst s8  }
0x11: {  	[smem:$0x3FB5] =	sst s9;
	s0 =	simm.s32 @!p0 $0x0  }
0x12: {  	s1 =	sld [smem:$0x3F9B];
	s0 =	simm.s32 @p0 $0x1  }
0x13: {  	[smem:$0x3FB6] =	sst s0;
	s0 =	simm.s32 @!p1 $0x0  }
0x14: {  	s2 =	sld [smem:$0x3F9A];
	s0 =	simm.s32 @p1 $0x1  }
0x15: {  	[smem:$0x3FB7] =	sst s0;
	s0 =	simm.s32 @!p2 $0x0  }
0x16: {  	s3 =	sld [smem:$0x3FDB];
	s0 =	simm.s32 @p2 $0x1  }
0x17: {  	s4 =	simm.s32 $0x1BF5;
	[smem:$0x3FB9] =	sst s0  }
0x18: {  	s0 =	sld [smem:$0x3F9C];
	_ =	swait.ge [sflag:s4], $0x0  }
0x19: {  	s7 =	sld [smem:$0x3F9D]  }
0x1a: {  	s8 =	sadd.s32 $0xFFFFE003, lr  }
0x1b: {  	s9 =	sadd.s32 $0xFFFFFEF7, lr;
	s5 =	simm.s32 $0xFFFFFFFF;
	p2 =	slt.u32 s8, $0xFFFFF086  }
0x1c: {  	p1 =	slt.u32 s9, $0xF7A;
	s5 =	simm.s32 @!p2 $0x0  }
0x1d: {  	s5 =	simm.s32 @p1 $0x1;
	p0 =	seq.s32 s7, s2  }
0x1e: {  	s7 =	smul.u32 @!p0 $0xF7A, s2;
	p2 =	seq.s32 @!p0 s5, $0x0  }
0x1f: {  	s9 =	smul.u32 $0xF7A, s1;
	s8 =	simm.s32 @!p0 $0x1BF5;
	p2 =	por !p2, p0  }
0x20: {  	[sflag:s8] =	ssyncset.s32 @!p0 $0xFFFFF086;
	s6 =	sadd.s32 @!p0 s3, s7;
	s7 =	simm.s32 @!p0 $0x108  }
0x21: {  	s3 =	sadd.s32 s3, s9;
	s6 =	sadd.s32 @!p0 $0x88, s6;
	s7 =	simm.s32 @p2 $0x1082  }
0x22: {  	[simem:s7], [sflag:s8] =	dma.local @!p0 [hbm:s6], $0xF7A  }
0x23: {  	s9 =	sor.u32 $0xD0000000, s2;
	s6 =	simm.s32 $0x108;
	_ =	swait.ge @!p0 [sflag:s8], $0x0  }
0x24: {  	s3 =	sadd.s32 $0x88, s3;
	s6 =	simm.s32 @!p1 $0x1082;
	[sflag:s4] =	ssyncset.s32 $0xFFFFF086  }
0x25: {  	[simem:s6], [sflag:s4] =	dma.local [hbm:s3], $0xF7A  }
0x26: {  	[smem:$0x3F9D] =	sst s1;
	(tag) =	ssettag s2;
	_ =	strace s9  }
0x27: {  	s1 =	sld [smem:$0x3FAD]  }
0x28: {  	s2 =	sld [smem:$0x3FAE]  }
0x29: {  	s4 =	sld [smem:$0x3FB0]  }
0x2a: {  	p0 =	seq.s32 s5, $0x0;
	s5 =	sld [smem:$0x3FB1]  }
0x2b: {  	s6 =	sld [smem:$0x3FB2]  }
0x2c: {  	s7 =	sld [smem:$0x3FB3]  }
0x2d: {  	s3 =	simm.s32 $0x108;
	s8 =	sld [smem:$0x3FB4]  }
0x2e: {  	s3 =	simm.s32 @!p0 $0x1082;
	s9 =	sld [smem:$0x3FB5]  }
0x2f: {  	lr =	sadd.s32 s0, s3;
	s0 =	sld [smem:$0x3FAC]  }
0x30: {  	s3 =	sld [smem:$0x3FAF]  }
0x31: {  	[smem:$0x3FB8] =	sst s10  }
0x32: {  	s10 =	sld [smem:$0x3FB6];
	_ =	sdelay $0x3  }
0x33: {  	p0 =	seq.s32 s10, $0x1;
	s10 =	sld [smem:$0x3FB8];
	_ =	sdelay $0x3  }
0x34: {  	[smem:$0x3FB8] =	sst s10  }
0x35: {  	s10 =	sld [smem:$0x3FB7];
	_ =	sdelay $0x3  }
0x36: {  	p1 =	seq.s32 s10, $0x1;
	s10 =	sld [smem:$0x3FB8];
	_ =	sdelay $0x3  }
0x37: {  	[smem:$0x3FB8] =	sst s10  }
0x38: {  	s10 =	sld [smem:$0x3FB9]  }
0x39: {  	_ = 	snop;
	(pc) =	sbr.ind lr, $3  }
0x3a: {  	_ = 	snop  }
0x3b: {  	_ = 	snop  }
0x3c: {  	p2 =	seq.s32 s10, $0x1;
	s10 =	sld [smem:$0x3FB8]  }
0x3d: {  	_ =	shalt  }
0x3e: {  	_ =	shalt  }
0x3f: {  	_ =	shalt  }
0x40: {  	_ =	shalt  }
0x41: {  	_ =	shalt  }
0x42: {  	_ =	shalt  }
0x43: {  	_ =	shalt  }
0x44: {  	_ =	shalt  }
0x45: {  	_ =	shalt  }
0x46: {  	_ =	shalt  }
0x47: {  	_ =	shalt  }
0x48: {  	_ =	shalt  }
0x49: {  	_ =	shalt  }
0x4a: {  	_ =	shalt  }
0x4b: {  	_ =	shalt  }
0x4c: {  	_ =	shalt  }
0x4d: {  	_ =	shalt  }
0x4e: {  	_ =	shalt  }
0x4f: {  	_ =	shalt  }
0x50: {  	_ =	shalt  }
0x51: {  	_ =	shalt  }
0x52: {  	_ =	shalt  }
0x53: {  	_ =	shalt  }
0x54: {  	_ =	shalt  }
0x55: {  	_ =	shalt  }
0x56: {  	_ =	shalt  }
0x57: {  	_ =	shalt  }
0x58: {  	_ =	shalt  }
0x59: {  	_ =	shalt  }
0x5a: {  	_ =	shalt  }
0x5b: {  	_ =	shalt  }
0x5c: {  	_ =	shalt  }
0x5d: {  	_ =	shalt  }
0x5e: {  	_ =	shalt  }
0x5f: {  	_ =	shalt  }
0x60: {  	_ =	shalt  }
0x61: {  	_ =	shalt  }
0x62: {  	_ =	shalt  }
0x63: {  	_ =	shalt  }
0x64: {  	_ =	shalt  }
0x65: {  	_ =	shalt  }
0x66: {  	_ =	shalt  }
0x67: {  	_ =	shalt  }
0x68: {  	_ =	shalt  }
0x69: {  	_ =	shalt  }
0x6a: {  	_ =	shalt  }
0x6b: {  	_ =	shalt  }
0x6c: {  	_ =	shalt  }
0x6d: {  	_ =	shalt  }
0x6e: {  	_ =	shalt  }
0x6f: {  	_ =	shalt  }
0x70: {  	_ =	shalt  }
0x71: {  	_ =	shalt  }
0x72: {  	_ =	shalt  }
0x73: {  	_ =	shalt  }
0x74: {  	_ =	shalt  }
0x75: {  	_ =	shalt  }
0x76: {  	_ =	shalt  }
0x77: {  	_ =	shalt  }
0x78: {  	_ =	shalt  }
0x79: {  	_ =	shalt  }
0x7a: {  	_ =	shalt  }
0x7b: {  	_ =	shalt  }
0x7c: {  	_ =	shalt  }
0x7d: {  	_ =	shalt  }
0x7e: {  	_ =	shalt  }
0x7f: {  	_ =	shalt  }
0x80: {  	_ =	shalt  }
0x81: {  	_ =	shalt  }
0x82: {  	_ =	shalt  }
0x83: {  	_ =	shalt  }
0x84: {  	_ =	shalt  }
0x85: {  	_ =	shalt  }
0x86: {  	_ =	shalt  }
0x87: {  	_ =	shalt  }
.Lfunc_end0:
.L_simem_size_0:
called_computation_lowered:
.L_overlay_start_0:
0x88: {  	s2 =	sld [smem:$0x3FD9]  }
0x89: {  	s3 =	sld [smem:$0x3FFE];
	_ =	sdelay $0x1  }
0x8a: {  	s1 =	srdreg.scid  }
0x8b: {  	s0 =	sand.u32 $0x1, s1  }
0x8c: {  	s17 =	sshll.u32 s0, $0xA;
	s2 =	sadd.s32 s3, s2  }
0x8d: {  	s2 =	sadd.s32 s2, s17  }
0x8e: {  	[smem:$0x3FC4] =	sst s2  }
0x8f: {  	_ = 	snop  }
0x90: {  	s2 =	sld [smem:$0x3FD0];
	(tm) =	ssettm $0x1  }
0x91: {  	s18 =	sld [smem:$0x3FFB];
	_ =	sdelay $0x3  }
0x92: {  	_ =	strace s18  }
0x93: {  	s3 =	sld [smem:$0x3FFC];
	_ =	sdelay $0x3  }
0x94: {  	_ =	strace s3  }
0x95: {  	s3 =	sld [smem:$0x3FFD];
	_ =	sdelay $0x3  }
0x96: {  	_ =	strace s3  }
0x97: {  	_ =	strace $0x8FFFFFFF  }
0x98: {  	s19 =	sld [smem:$0x3FDB];
	_ =	sdelay $0x1  }
0x99: {  	s4 =	simm.s32 $_scs_section_size  }
0x9a: {  	s5 =	simm.s32 $_size__tile_overlayer_lowered;
	s6 =	simm.s32 $_tile_overlayer_lowered  }
0x9b: {  	s22 =	simm.s32 $0x1BFF;
	s21 =	sshll.u32 s6, $0x1;
	s3 =	sadd.s32 s4, s19  }
0x9c: {  	s7 =	simm.s32 $0x0;
	s20 =	sshll.u32 s5, $0x1;
	s5 =	sadd.s32 s21, s3  }
0x9d: {  	[timem:s7], [sflag:s22] =	dma.local [hbm:s5], s20  }
0x9e: {  	_ =	swait.ge [sflag:s22], s20  }
0x9f: {  	s4 =	ssub.s32 $0x0, s20;
	[sflag:s22] =	ssyncset.done $0x0  }
0xa0: {  	[sflag:s22] =	ssyncadd.s32 s4;
	_ =	sdelay $0x1  }
0xa1: {  	s23 =	simm.s32 $0x1B8B  }
0xa2: {  	_ =	swait.ge [sflag:s23], $0x1  }
0xa3: {  	[sflag:s23] =	ssyncset.done $0x0  }
0xa4: {  	s25 =	simm.s32 $0x1B8E;
	s24 =	sld [smem:$0x3FFE];
	[sflag:s23] =	ssyncadd.s32 $0xFFFFFFFF  }
0xa5: {  	s26 =	simm.s32 $execute0_lowered;
	[smem:$0x3FD2] =	sst s25  }
0xa6: {  	s5 =	sshll.u32 s26, $0x1;
	_ =	strace $0x80000046;
	[dreg:$0x1] =	wrdreg $0xFFFFFFFF  }
0xa7: {  	s28 =	simm.s32 $_size_execute0_lowered;
	s3 =	sadd.s32 s3, s5;
	[dreg:$0x0] =	wrdreg $0x0  }
0xa8: {  	s5 =	sshll.u32 s28, $0x1;
	[dreg:$0x2] =	wrdreg s3  }
0xa9: {  	[dreg:$0x3] =	wrdreg s5  }
0xaa: {  	[dreg:$0x4] =	wrdreg $0xC0  }
0xab: {  	_ =	task [dreg:s7], $0x5FFFF  }
0xac: {  	[dreg:$0x1] =	wrdreg $0xFFFFFFFF  }
0xad: {  	[dreg:$0x0] =	wrdreg $0x60  }
0xae: {  	[dreg:$0x2] =	wrdreg s24  }
0xaf: {  	[dreg:$0x3] =	wrdreg s2  }
0xb0: {  	[dreg:$0x4] =	wrdreg $0x40800  }
0xb1: {  	[dreg:$0x5] =	wrdreg $0x9  }
0xb2: {  	_ =	task.clear_ibuf [dreg:s7], $0x6FFFF;
	_ =	strace $0x90000046  }
0xb3: {  	s29 =	simm.s32 $0x9;
	_ =	strace $0x80000048  }
0xb4: {  	_ =	swait.ge [sflag:s29], $0x1  }
0xb5: {  	[sflag:s29] =	ssyncadd.s32 $0xFFFFFFFF  }
0xb6: {  	_ =	strace $0x90000048  }
0xb7: {  	_ =	sfence  }
0xb8: {  	s30 =	sld [smem:$0x0];
	_ =	sdelay $0x2  }
0xb9: {  	s31 =	sshll.u32 s1, $0xD;
	s1 =	sshrl.u32 s1, $0x2  }
0xba: {  	s3 =	sand.u32 $0x4000, s31;
	s1 =	sadd.s32 s1, s30  }
0xbb: {  	s0 =	sor.u32 s3, s0;
	s1 =	sshll.u32 s1, $0x11  }
0xbc: {  	s0 =	sor.u32 s1, s0  }
0xbd: {  	s0 =	sadd.s32 $0x8F2B, s0  }
0xbe: {  	[sflag:s0] =	ssyncadd.remote.s32 $0x1  }
0xbf: {  	_ =	sfence.sel $0xFFFF  }
0xc0: {  	[dreg:$0x0] =	wrdreg $0xFFFFFFFF;
	(pc) =	sbr.abs _section_cstart, $3  }
0xc1: {  	[dreg:$0x1] =	wrdreg $0xFFFFFFFF  }
0xc2: {  	_ =	task.clear_ibuf [dreg:s7], $0x2FFFF;
	_ =	strace $0x9FFFFFFF  }
0xc3: {  	(tm) =	ssettm $0x7FFFFFFF  }
tec
execute0_lowered:
.L_overlay_start_1:
0x0: {  	(tag) =	ssettag $0x1  }
0x1: {  	s7 =	rddreg [dreg:$0x0]  }
0x2: {  	s5 =	rddreg [dreg:$0x1]  }
0x3: {  	s1 =	rddreg [dreg:$0x2]  }
0x4: {  	s0 =	rddreg [dreg:$0x3]  }
0x5: {  	s3 =	simm.s32 $0x0;
	s4 =	srdreg.scid;
	s2 =	stileid.u32  }
0x6: {  	s12 =	simm.s32 $0x22200;
	s15 =	simm.s32 $0x0;
	[smem:$0x7FF] =	sst s3  }
0x7: {  	s6 =	sand.u32 $0x1, s4;
	s30 =	sshll.u32 s2, $0xB;
	s9 =	smul.u32 $0x280, s2  }
0x8: {  	s4 =	sadd.s32 $0x21A00, s7;
	s13 =	sshll.u32 s2, $0x6;
	_ =	strace $0x80000047  }
0x9: {  	s8 =	ssub.s32 $0x2, s6;
	s10 =	sadd.s32 s30, s7;
	p0 =	seq.s32 s6, $0x1  }
0xa: {  	s14 =	sshll.u32 s6, $0xF;
	s6 =	sor.u32 $0x1C02, s13;
	s13 =	simm.s32 $0x50  }
0xb: {  	s11 =	sshrl.u32 s8, $0x1;
	s31 =	sadd.s32 s9, s1;
	s9 =	sshrl.u32 s9, $0x3  }
0xc: {  	s12 =	simm.s32 @!p0 $0x21C00;
	s10 =	sadd.s32 s14, s10;
	s14 =	simm.s32 $0x1  }
0xd: {  	s8 =	ssub.s32 s8, s11;
	s5 =	sadd.s32 s5, s9;
	s12 =	sadd.s32 s12, s7  }
0xe: {  	s7 =	sadd.s32 $0x11A00, s10;
	s10 =	sshrl.u32 s31, $0x3;
	s11 =	simm.s32 $0x2  }
0xf: {  	s8 =	smax.u32 s8, $0x1;
	s9 =	sadd.s32 s12, s9;
	s12 =	simm.s32 $0x4000  }
.LBB2_1:
0x10: {  	[spmem:s10], [sflag:s6] =	dma.local [hbm:s5], $0x50  }
0x11: {  	_ =	swait.ge [sflag:s11], $0x50  }
0x12: {  	[sflag:s11] =	ssyncset.done $0x0  }
0x13: {  	[sflag:s11] =	ssyncadd.s32 $0xFFFFFFB0  }
0x14: {  	[tilespmem:s3], [sflag:$0x2] =	stream.linear.gather [hbm4b:s7+s3], $0x3E80, $0x38;
	[tilespmem:$0x4300] =	vst v63  }
0x15: {  	_ =	swait.ge [sflag:s11], $0x3E80  }
0x16: {  	[sflag:s11] =	ssyncset.done $0x0  }
0x17: {  	[sflag:s11] =	ssyncadd.s32 $0xFFFFC180  }
0x18: {  	[tilespmem:s12], [sflag:$0x2] =	stream.linear.gather [hbm4b:s4+s3], $0x80, $0x38;
	[tilespmem:$0x4300] =	vst v63  }
0x19: {  	_ =	swait.ge [sflag:s11], $0x80  }
0x1a: {  	[sflag:s11] =	ssyncset.done $0x0  }
0x1b: {  	[sflag:s11] =	ssyncadd.s32 $0xFFFFFF80  }
0x1c: {  	s16 =	simm.s32 $0x0;
	[bflag:$0x0] =	sbarrier.arrive $0xFFFF  }
.LBB2_2:
0x1d: {  	p0 =	sne.s32 s16, $0xF800  }
.Ltmp0:
0x1e: {  	_ = 	snop;
	(pc) =	sbr.rel @p0 .LBB2_2-.Ltmp0, $3  }
0x1f: {  	_ =	sdelay $0x1  }
0x20: {  	s17 =	sshra.s32 s16, $0x2;
	s16 =	sadd.s32 $0x200, s16  }
0x21: {  	[spmem:s1] =	stream.indirect.scatter.add.f32 [tilespmem:s12], [sflag:$0x1], $0x1, s17, s13, $0xb8;
	[tilespmem:$0x4300] =	vst v63  }
0x22: {  	_ =	swait.ge [sflag:s14], $0x50  }
0x23: {  	s16 =	simm.s32 $0x7C;
	[sflag:s14] =	ssyncset.done $0x0  }
.LBB2_4:
0x24: {  	p0 =	sne.s32 s16, $0x1;
	s16 =	sadd.s32 $0xFFFFFFFF, s16;
	[sflag:s14] =	ssyncadd.s32 $0xFFFFFFB0  }
.Ltmp1:
0x25: {  	(pc) =	sbr.rel @p0 .LBB2_4-.Ltmp1, $3  }
0x26: {  	_ =	sdelay $0x1  }
0x27: {  	_ =	swait.ge [sflag:s14], $0x50  }
0x28: {  	[sflag:s14] =	ssyncset.done $0x0  }
0x29: {  	s15 =	sadd.s32 $0x1, s15  }
0x2a: {  	[sflag:s14] =	ssyncadd.s32 $0xFFFFFFB0;
	p0 =	sne.s32 s15, s8  }
.Ltmp2:
0x2b: {  	[bflag:$0x0] =	sbarrier.arrive $0xFFFF;
	(pc) =	sbr.rel @p0 .LBB2_1-.Ltmp2, $4  }
0x2c: {  	[hbm:s9], [sflag:s6] =	dma.local [spmem:s10], $0x50  }
0x2d: {  	_ =	swait.ge [sflag:s11], $0x50  }
0x2e: {  	[sflag:s11] =	ssyncset.done $0x0  }
0x2f: {  	[sflag:s11] =	ssyncadd.s32 $0xFFFFFFB0  }
0x30: {  	_ =	sfence.sel $0x180000  }
0x31: {  	[bflag:$0x0] =	sbarrier.arrive $0xFFFF  }
0x32: {  	p0 =	sne.s32 s2, $0x0;
	_ =	strace $0x90000047  }
0x33: {  	s0 =	sadd.s32 @!p0 $0x100000, s0;
	[bflag:$0x2] =	sbarrier.arrive $0xFFFF  }
0x34: {  	[sflag:s0] =	ssyncadd.tile.s32 @!p0 $0x1;
	_ =	shalt  }
.Lfunc_end2:
_tile_overlayer_lowered:
.L_overlay_start_2:
0x35: {  	(tag) =	ssettag $0x2  }
0x36: {  	s0 =	rddreg [dreg:$0x0];
	s2 =	stileid.u32  }
0x37: {  	s1 =	rddreg [dreg:$0x1];
	p0 =	sne.s32 s2, $0x0  }
0x38: {  	s3 =	rddreg [dreg:$0x2];
	[bflag:$0x3] =	sbarrier.arrive $0xFFFF;
	s2 =	simm.s32 @!p0 $0x1C02  }
0x39: {  	[timem:s3], [sflag:s2] =	dma.local @!p0 [hbm:s0], s1  }
0x3a: {  	s0 =	simm.s32 @!p0 $0x2  }
0x3b: {  	_ =	swait.ge @!p0 [sflag:s0], s1  }
0x3c: {  	s1 =	ssub.s32 @!p0 $0x0, s1;
	[sflag:s0] =	ssyncset.done @!p0 $0x0  }
0x3d: {  	[sflag:s0] =	ssyncadd.s32 @!p0 s1  }
0x3e: {  	[bflag:$0x3] =	sbarrier.arrive $0xFFFF  }
0x3f: {  	_ =	shalt  }

// kernel: kernel.9.cloned.1.call-start
scs
__scs_entry_jumppad:
0x0: {  	(pc) =	sbr.rel $0x88, $3  }
0x1: {  	(tag) =	ssettag $0x0;
	lr =	simm.s32 $0x1  }
0x2: {  	[smem:$0x3F9D] =	sst lr;
	_ =	strace $0xD0000000  }
0x3: {  	_ = 	snop  }
0x4: {  	_ = 	snop  }
0x5: {  	_ = 	snop  }
0x6: {  	_ = 	snop  }
0x7: {  	_ = 	snop  }
__scs_overlays_trampoline_lowered:
0x8: {  	[smem:$0x3FAC] =	sst s0  }
0x9: {  	[smem:$0x3FAD] =	sst s1  }
0xa: {  	[smem:$0x3FAE] =	sst s2  }
0xb: {  	[smem:$0x3FAF] =	sst s3  }
0xc: {  	[smem:$0x3FB0] =	sst s4  }
0xd: {  	[smem:$0x3FB1] =	sst s5  }
0xe: {  	[smem:$0x3FB2] =	sst s6  }
0xf: {  	[smem:$0x3FB3] =	sst s7  }
0x10: {  	[smem:$0x3FB4] =	sst s8  }
0x11: {  	[smem:$0x3FB5] =	sst s9;
	s0 =	simm.s32 @!p0 $0x0  }
0x12: {  	s1 =	sld [smem:$0x3F9B];
	s0 =	simm.s32 @p0 $0x1  }
0x13: {  	[smem:$0x3FB6] =	sst s0;
	s0 =	simm.s32 @!p1 $0x0  }
0x14: {  	s2 =	sld [smem:$0x3F9A];
	s0 =	simm.s32 @p1 $0x1  }
0x15: {  	[smem:$0x3FB7] =	sst s0;
	s0 =	simm.s32 @!p2 $0x0  }
0x16: {  	s3 =	sld [smem:$0x3FDB];
	s0 =	simm.s32 @p2 $0x1  }
0x17: {  	s4 =	simm.s32 $0x1BF5;
	[smem:$0x3FB9] =	sst s0  }
0x18: {  	s0 =	sld [smem:$0x3F9C];
	_ =	swait.ge [sflag:s4], $0x0  }
0x19: {  	s7 =	sld [smem:$0x3F9D]  }
0x1a: {  	s8 =	sadd.s32 $0xFFFFE003, lr  }
0x1b: {  	s9 =	sadd.s32 $0xFFFFFEF7, lr;
	s5 =	simm.s32 $0xFFFFFFFF;
	p2 =	slt.u32 s8, $0xFFFFF086  }
0x1c: {  	p1 =	slt.u32 s9, $0xF7A;
	s5 =	simm.s32 @!p2 $0x0  }
0x1d: {  	s5 =	simm.s32 @p1 $0x1;
	p0 =	seq.s32 s7, s2  }
0x1e: {  	s7 =	smul.u32 @!p0 $0xF7A, s2;
	p2 =	seq.s32 @!p0 s5, $0x0  }
0x1f: {  	s9 =	smul.u32 $0xF7A, s1;
	s8 =	simm.s32 @!p0 $0x1BF5;
	p2 =	por !p2, p0  }
0x20: {  	[sflag:s8] =	ssyncset.s32 @!p0 $0xFFFFF086;
	s6 =	sadd.s32 @!p0 s3, s7;
	s7 =	simm.s32 @!p0 $0x108  }
0x21: {  	s3 =	sadd.s32 s3, s9;
	s6 =	sadd.s32 @!p0 $0x88, s6;
	s7 =	simm.s32 @p2 $0x1082  }
0x22: {  	[simem:s7], [sflag:s8] =	dma.local @!p0 [hbm:s6], $0xF7A  }
0x23: {  	s9 =	sor.u32 $0xD0000000, s2;
	s6 =	simm.s32 $0x108;
	_ =	swait.ge @!p0 [sflag:s8], $0x0  }
0x24: {  	s3 =	sadd.s32 $0x88, s3;
	s6 =	simm.s32 @!p1 $0x1082;
	[sflag:s4] =	ssyncset.s32 $0xFFFFF086  }
0x25: {  	[simem:s6], [sflag:s4] =	dma.local [hbm:s3], $0xF7A  }
0x26: {  	[smem:$0x3F9D] =	sst s1;
	(tag) =	ssettag s2;
	_ =	strace s9  }
0x27: {  	s1 =	sld [smem:$0x3FAD]  }
0x28: {  	s2 =	sld [smem:$0x3FAE]  }
0x29: {  	s4 =	sld [smem:$0x3FB0]  }
0x2a: {  	p0 =	seq.s32 s5, $0x0;
	s5 =	sld [smem:$0x3FB1]  }
0x2b: {  	s6 =	sld [smem:$0x3FB2]  }
0x2c: {  	s7 =	sld [smem:$0x3FB3]  }
0x2d: {  	s3 =	simm.s32 $0x108;
	s8 =	sld [smem:$0x3FB4]  }
0x2e: {  	s3 =	simm.s32 @!p0 $0x1082;
	s9 =	sld [smem:$0x3FB5]  }
0x2f: {  	lr =	sadd.s32 s0, s3;
	s0 =	sld [smem:$0x3FAC]  }
0x30: {  	s3 =	sld [smem:$0x3FAF]  }
0x31: {  	[smem:$0x3FB8] =	sst s10  }
0x32: {  	s10 =	sld [smem:$0x3FB6];
	_ =	sdelay $0x3  }
0x33: {  	p0 =	seq.s32 s10, $0x1;
	s10 =	sld [smem:$0x3FB8];
	_ =	sdelay $0x3  }
0x34: {  	[smem:$0x3FB8] =	sst s10  }
0x35: {  	s10 =	sld [smem:$0x3FB7];
	_ =	sdelay $0x3  }
0x36: {  	p1 =	seq.s32 s10, $0x1;
	s10 =	sld [smem:$0x3FB8];
	_ =	sdelay $0x3  }
0x37: {  	[smem:$0x3FB8] =	sst s10  }
0x38: {  	s10 =	sld [smem:$0x3FB9]  }
0x39: {  	_ = 	snop;
	(pc) =	sbr.ind lr, $3  }
0x3a: {  	_ = 	snop  }
0x3b: {  	_ = 	snop  }
0x3c: {  	p2 =	seq.s32 s10, $0x1;
	s10 =	sld [smem:$0x3FB8]  }
0x3d: {  	_ =	shalt  }
0x3e: {  	_ =	shalt  }
0x3f: {  	_ =	shalt  }
0x40: {  	_ =	shalt  }
0x41: {  	_ =	shalt  }
0x42: {  	_ =	shalt  }
0x43: {  	_ =	shalt  }
0x44: {  	_ =	shalt  }
0x45: {  	_ =	shalt  }
0x46: {  	_ =	shalt  }
0x47: {  	_ =	shalt  }
0x48: {  	_ =	shalt  }
0x49: {  	_ =	shalt  }
0x4a: {  	_ =	shalt  }
0x4b: {  	_ =	shalt  }
0x4c: {  	_ =	shalt  }
0x4d: {  	_ =	shalt  }
0x4e: {  	_ =	shalt  }
0x4f: {  	_ =	shalt  }
0x50: {  	_ =	shalt  }
0x51: {  	_ =	shalt  }
0x52: {  	_ =	shalt  }
0x53: {  	_ =	shalt  }
0x54: {  	_ =	shalt  }
0x55: {  	_ =	shalt  }
0x56: {  	_ =	shalt  }
0x57: {  	_ =	shalt  }
0x58: {  	_ =	shalt  }
0x59: {  	_ =	shalt  }
0x5a: {  	_ =	shalt  }
0x5b: {  	_ =	shalt  }
0x5c: {  	_ =	shalt  }
0x5d: {  	_ =	shalt  }
0x5e: {  	_ =	shalt  }
0x5f: {  	_ =	shalt  }
0x60: {  	_ =	shalt  }
0x61: {  	_ =	shalt  }
0x62: {  	_ =	shalt  }
0x63: {  	_ =	shalt  }
0x64: {  	_ =	shalt  }
0x65: {  	_ =	shalt  }
0x66: {  	_ =	shalt  }
0x67: {  	_ =	shalt  }
0x68: {  	_ =	shalt  }
0x69: {  	_ =	shalt  }
0x6a: {  	_ =	shalt  }
0x6b: {  	_ =	shalt  }
0x6c: {  	_ =	shalt  }
0x6d: {  	_ =	shalt  }
0x6e: {  	_ =	shalt  }
0x6f: {  	_ =	shalt  }
0x70: {  	_ =	shalt  }
0x71: {  	_ =	shalt  }
0x72: {  	_ =	shalt  }
0x73: {  	_ =	shalt  }
0x74: {  	_ =	shalt  }
0x75: {  	_ =	shalt  }
0x76: {  	_ =	shalt  }
0x77: {  	_ =	shalt  }
0x78: {  	_ =	shalt  }
0x79: {  	_ =	shalt  }
0x7a: {  	_ =	shalt  }
0x7b: {  	_ =	shalt  }
0x7c: {  	_ =	shalt  }
0x7d: {  	_ =	shalt  }
0x7e: {  	_ =	shalt  }
0x7f: {  	_ =	shalt  }
0x80: {  	_ =	shalt  }
0x81: {  	_ =	shalt  }
0x82: {  	_ =	shalt  }
0x83: {  	_ =	shalt  }
0x84: {  	_ =	shalt  }
0x85: {  	_ =	shalt  }
0x86: {  	_ =	shalt  }
0x87: {  	_ =	shalt  }
.Lfunc_end0:
.L_simem_size_0:
called_computation.1_lowered:
.L_overlay_start_0:
0x88: {  	s2 =	sld [smem:$0x3FD9]  }
0x89: {  	s3 =	sld [smem:$0x3FFE];
	_ =	sdelay $0x1  }
0x8a: {  	s1 =	srdreg.scid  }
0x8b: {  	s0 =	sand.u32 $0x1, s1  }
0x8c: {  	s17 =	sshll.u32 s0, $0xA;
	s2 =	sadd.s32 s3, s2  }
0x8d: {  	s2 =	sadd.s32 s2, s17  }
0x8e: {  	[smem:$0x3FC4] =	sst s2  }
0x8f: {  	_ = 	snop  }
0x90: {  	s2 =	sld [smem:$0x3FD0];
	(tm) =	ssettm $0x1  }
0x91: {  	s18 =	sld [smem:$0x3FFB];
	_ =	sdelay $0x3  }
0x92: {  	_ =	strace s18  }
0x93: {  	s3 =	sld [smem:$0x3FFC];
	_ =	sdelay $0x3  }
0x94: {  	_ =	strace s3  }
0x95: {  	s3 =	sld [smem:$0x3FFD];
	_ =	sdelay $0x3  }
0x96: {  	_ =	strace s3  }
0x97: {  	_ =	strace $0x8FFFFFFF  }
0x98: {  	s19 =	sld [smem:$0x3FDB];
	_ =	sdelay $0x1  }
0x99: {  	s4 =	simm.s32 $_scs_section_size  }
0x9a: {  	s5 =	simm.s32 $_size__tile_overlayer_lowered;
	s6 =	simm.s32 $_tile_overlayer_lowered  }
0x9b: {  	s22 =	simm.s32 $0x1BFF;
	s21 =	sshll.u32 s6, $0x1;
	s3 =	sadd.s32 s4, s19  }
0x9c: {  	s7 =	simm.s32 $0x0;
	s20 =	sshll.u32 s5, $0x1;
	s5 =	sadd.s32 s21, s3  }
0x9d: {  	[timem:s7], [sflag:s22] =	dma.local [hbm:s5], s20  }
0x9e: {  	_ =	swait.ge [sflag:s22], s20  }
0x9f: {  	s4 =	ssub.s32 $0x0, s20;
	[sflag:s22] =	ssyncset.done $0x0  }
0xa0: {  	[sflag:s22] =	ssyncadd.s32 s4;
	_ =	sdelay $0x1  }
0xa1: {  	s23 =	simm.s32 $0x1B8B  }
0xa2: {  	_ =	swait.ge [sflag:s23], $0x1  }
0xa3: {  	[sflag:s23] =	ssyncset.done $0x0  }
0xa4: {  	s25 =	simm.s32 $0x1B8E;
	s24 =	sld [smem:$0x3FFE];
	[sflag:s23] =	ssyncadd.s32 $0xFFFFFFFF  }
0xa5: {  	s26 =	simm.s32 $execute0_lowered;
	[smem:$0x3FD2] =	sst s25  }
0xa6: {  	s5 =	sshll.u32 s26, $0x1;
	_ =	strace $0x80000049;
	[dreg:$0x1] =	wrdreg $0xFFFFFFFF  }
0xa7: {  	s28 =	simm.s32 $_size_execute0_lowered;
	s3 =	sadd.s32 s3, s5;
	[dreg:$0x0] =	wrdreg $0x0  }
0xa8: {  	s5 =	sshll.u32 s28, $0x1;
	[dreg:$0x2] =	wrdreg s3  }
0xa9: {  	[dreg:$0x3] =	wrdreg s5  }
0xaa: {  	[dreg:$0x4] =	wrdreg $0xC0  }
0xab: {  	_ =	task [dreg:s7], $0x5FFFF  }
0xac: {  	[dreg:$0x1] =	wrdreg $0xFFFFFFFF  }
0xad: {  	[dreg:$0x0] =	wrdreg $0x60  }
0xae: {  	[dreg:$0x2] =	wrdreg s24  }
0xaf: {  	[dreg:$0x3] =	wrdreg s2  }
0xb0: {  	[dreg:$0x4] =	wrdreg $0xB9800  }
0xb1: {  	[dreg:$0x5] =	wrdreg $0x9  }
0xb2: {  	_ =	task.clear_ibuf [dreg:s7], $0x6FFFF;
	_ =	strace $0x90000049  }
0xb3: {  	s29 =	simm.s32 $0x9;
	_ =	strace $0x8000004B  }
0xb4: {  	_ =	swait.ge [sflag:s29], $0x1  }
0xb5: {  	[sflag:s29] =	ssyncadd.s32 $0xFFFFFFFF  }
0xb6: {  	_ =	strace $0x9000004B  }
0xb7: {  	_ =	sfence  }
0xb8: {  	s30 =	sld [smem:$0x0];
	_ =	sdelay $0x2  }
0xb9: {  	s31 =	sshll.u32 s1, $0xD;
	s1 =	sshrl.u32 s1, $0x2  }
0xba: {  	s3 =	sand.u32 $0x4000, s31;
	s1 =	sadd.s32 s1, s30  }
0xbb: {  	s0 =	sor.u32 s3, s0;
	s1 =	sshll.u32 s1, $0x11  }
0xbc: {  	s0 =	sor.u32 s1, s0  }
0xbd: {  	s0 =	sadd.s32 $0x8F2B, s0  }
0xbe: {  	[sflag:s0] =	ssyncadd.remote.s32 $0x1  }
0xbf: {  	_ =	sfence.sel $0xFFFF  }
0xc0: {  	[dreg:$0x0] =	wrdreg $0xFFFFFFFF;
	(pc) =	sbr.abs _section_cstart, $3  }
0xc1: {  	[dreg:$0x1] =	wrdreg $0xFFFFFFFF  }
0xc2: {  	_ =	task.clear_ibuf [dreg:s7], $0x2FFFF;
	_ =	strace $0x9FFFFFFF  }
0xc3: {  	(tm) =	ssettm $0x7FFFFFFF  }
tec
execute0_lowered:
.L_overlay_start_1:
0x0: {  	(tag) =	ssettag $0x1  }
0x1: {  	s0 =	rddreg [dreg:$0x0]  }
0x2: {  	s1 =	rddreg [dreg:$0x1]  }
0x3: {  	s2 =	rddreg [dreg:$0x2];
	s3 =	srdreg.scid  }
0x4: {  	s4 =	simm.s32 $0x0;
	s12 =	stileid.u32;
	s28 =	simm.s32 $0x4100  }
0x5: {  	s30 =	simm.s32 $0x9180;
	s31 =	simm.s32 $0x1;
	s8 =	smul.u32 $0x13C00, s12  }
0x6: {  	s29 =	simm.s32 $0x5;
	s3 =	sand.u32 $0x1, s3;
	s14 =	smul.u32 $0x4F000, s12  }
0x7: {  	[smem:$0x7FF] =	sst s4;
	s10 =	sadd.s32 $0x2C600, s0;
	s17 =	smul.u32 $0x2710, s12  }
0x8: {  	s16 =	sshll.u32 s12, $0x6;
	s5 =	sshll.u32 s3, $0x4;
	s7 =	smul.u32 $0x13C000, s3  }
0x9: {  	_ =	strace $0x8000004A;
	[dreg:$0x4] =	wrdreg s10;
	s13 =	ssub.s32 $0x2, s3  }
0xa: {  	s3 =	smul.u32 $0x27100, s3;
	s6 =	sor.u32 s12, s5;
	s11 =	sshrl.u32 s13, $0x1  }
0xb: {  	s15 =	sshrl.u32 s14, $0x2;
	s5 =	sshll.u32 s6, $0xB;
	s7 =	sadd.s32 s8, s7  }
0xc: {  	s6 =	smul.u32 $0x2710, s6;
	s11 =	ssub.s32 s13, s11;
	s13 =	sadd.s32 s15, s2  }
0xd: {  	s8 =	sor.u32 $0x1C07, s16;
	s3 =	sadd.s32 s17, s3;
	s9 =	sadd.s32 s5, s0  }
0xe: {  	s5 =	sadd.s32 $0x22800, s0;
	s7 =	sshrl.u32 s7, $0x3;
	s22 =	sadd.s32 $0x190, s3  }
0xf: {  	s23 =	sadd.s32 $0x140, s3;
	s26 =	smax.u32 s11, $0x1;
	s10 =	sadd.s32 $0xF0, s3  }
0x10: {  	s3 =	simm.s32 $0x3;
	s0 =	sadd.s32 s7, s0;
	s6 =	sshrl.u32 s6, $0x3  }
0x11: {  	s9 =	sadd.s32 $0x1A00, s9;
	s24 =	sshrl.u32 s22, $0x3;
	s25 =	sshrl.u32 s23, $0x3  }
0x12: {  	[dreg:$0xb] =	wrdreg s26;
	s22 =	simm.s32 $0x50;
	s23 =	simm.s32 $0x4180  }
0x13: {  	s26 =	simm.s32 $0x6980;
	s7 =	sadd.s32 s5, s6;
	[dreg:$0x5] =	wrdreg s9  }
0x14: {  	s0 =	sadd.s32 $0x2EE00, s0;
	s12 =	sadd.s32 s24, s5;
	s11 =	sadd.s32 s25, s5  }
0x15: {  	s24 =	simm.s32 $0x4080;
	s18 =	sadd.s32 $0xA, s7;
	[dreg:$0xa] =	wrdreg s0  }
.Ltmp0:
0x16: {  	s19 =	sadd.s32 $0x14, s7;
	[dreg:$0x6] =	wrdreg s18;
	(pc) =	sbr.rel .LBB2_1-.Ltmp0, $4  }
0x17: {  	s25 =	simm.s32 $0x4;
	s20 =	sadd.s32 $0x4CE, s7;
	[dreg:$0x7] =	wrdreg s19  }
0x18: {  	s6 =	simm.s32 $0x6;
	s21 =	sadd.s32 $0x4D8, s7;
	[dreg:$0x8] =	wrdreg s20  }
0x19: {  	s9 =	simm.s32 $0x0;
	s0 =	simm.s32 $0x2;
	[dreg:$0x9] =	wrdreg s21  }
0x1a: {  	s19 =	sshrl.u32 s13, $0x3;
	s20 =	simm.s32 $0x7;
	s21 =	simm.s32 $0x4000  }
.LBB2_4:
0x1b: {  	_ =	swait.ge [sflag:s29], $0x2800  }
0x1c: {  	[sflag:s29] =	ssyncset.done $0x0  }
0x1d: {  	[sflag:s29] =	ssyncadd.s32 $0xFFFFD800  }
0x1e: {  	_ =	swait.ge [sflag:s6], $0x2800  }
0x1f: {  	[sflag:s6] =	ssyncset.done $0x0  }
0x20: {  	s13 =	rddreg [dreg:$0x8];
	[sflag:s6] =	ssyncadd.s32 $0xFFFFD800  }
0x21: {  	[tilespmem:s21], [sflag:$0x1] =	stream.linear.gather [hbm4b:s13+s4], $0x50, $0x38;
	[tilespmem:$0x1F580] =	vst v63  }
0x22: {  	s14 =	simm.s32 $0x3D80  }
0x23: {  	[tilespmem:s23], [sflag:$0x1] =	stream.indirect.gather [hbm4b:s1+s22], $0x80, s14, s22, $0xb8;
	[tilespmem:$0x1F580] =	vst v63  }
0x24: {  	_ =	swait.ge [sflag:s31], $0x50  }
0x25: {  	[sflag:s31] =	ssyncset.done $0x0  }
0x26: {  	[sflag:s31] =	ssyncadd.s32 $0xFFFFFFB0  }
0x27: {  	_ =	swait.ge [sflag:s31], $0x2800  }
0x28: {  	[sflag:s31] =	ssyncset.done $0x0  }
0x29: {  	[sflag:s31] =	ssyncadd.s32 $0xFFFFD800  }
0x2a: {  	[spmem:s2] =	stream.indirect.scatter.add.f32 [tilespmem:s23], [sflag:$0x4], $0x80, s21, s22, $0xb8;
	[tilespmem:$0x1F580] =	vst v63  }
0x2b: {  	_ =	swait.ge [sflag:s25], $0x2800  }
0x2c: {  	[sflag:s25] =	ssyncset.done $0x0  }
0x2d: {  	s15 =	rddreg [dreg:$0x9];
	[sflag:s25] =	ssyncadd.s32 $0xFFFFD800  }
0x2e: {  	[tilespmem:s24], [sflag:$0x2] =	stream.linear.gather [hbm4b:s15+s4], $0x50, $0x38;
	[tilespmem:$0x1F580] =	vst v63  }
0x2f: {  	s16 =	simm.s32 $0x3E00  }
0x30: {  	[tilespmem:s26], [sflag:$0x2] =	stream.indirect.gather [hbm4b:s1+s22], $0x80, s16, s22, $0xb8;
	[tilespmem:$0x1F580] =	vst v63  }
0x31: {  	_ =	swait.ge [sflag:s0], $0x50  }
0x32: {  	[sflag:s0] =	ssyncset.done $0x0  }
0x33: {  	[sflag:s0] =	ssyncadd.s32 $0xFFFFFFB0  }
0x34: {  	_ =	swait.ge [sflag:s0], $0x2800  }
0x35: {  	[sflag:s0] =	ssyncset.done $0x0  }
0x36: {  	[sflag:s0] =	ssyncadd.s32 $0xFFFFD800  }
0x37: {  	[spmem:s2] =	stream.indirect.scatter.add.f32 [tilespmem:s26], [sflag:$0x5], $0x80, s24, s22, $0xb8;
	[tilespmem:$0x1F580] =	vst v63  }
0x38: {  	_ =	swait.ge [sflag:s29], $0x2800  }
0x39: {  	[sflag:s29] =	ssyncset.done $0x0  }
0x3a: {  	[sflag:s29] =	ssyncadd.s32 $0xFFFFD800  }
0x3b: {  	[bflag:$0x0] =	sbarrier.arrive $0xFFFF  }
0x3c: {  	s17 =	rddreg [dreg:$0xa]  }
0x3d: {  	[hbm:s17], [sflag:s8] =	dma.local [spmem:s19], $0x2780  }
0x3e: {  	_ =	swait.ge [sflag:s20], $0x2780  }
0x3f: {  	s9 =	sadd.s32 $0x1, s9;
	s18 =	rddreg [dreg:$0xb]  }
0x40: {  	p0 =	sne.s32 s9, s18  }
.Ltmp1:
0x41: {  	_ = 	snop;
	(pc) =	sbr.rel @!p0 .LBB2_5-.Ltmp1, $3  }
0x42: {  	_ =	sdelay $0x1  }
0x43: {  	[sflag:s20] =	ssyncset.done $0x0  }
0x44: {  	[sflag:s20] =	ssyncadd.s32 $0xFFFFD880  }
.LBB2_1:
0x45: {  	s13 =	rddreg [dreg:$0x4]  }
0x46: {  	[spmem:s19], [sflag:s8] =	dma.local [hbm:s13], $0x2780  }
0x47: {  	_ =	swait.ge [sflag:s20], $0x2780  }
0x48: {  	[sflag:s20] =	ssyncset.done $0x0  }
0x49: {  	s14 =	rddreg [dreg:$0x5];
	[sflag:s20] =	ssyncadd.s32 $0xFFFFD880  }
0x4a: {  	[tilespmem:s4], [sflag:$0x7] =	stream.linear.gather [hbm4b:s14+s4], $0x3E80, $0x38;
	[tilespmem:$0x1F580] =	vst v63  }
0x4b: {  	_ =	swait.ge [sflag:s20], $0x3E80  }
0x4c: {  	[sflag:s20] =	ssyncset.done $0x0  }
0x4d: {  	[sflag:s20] =	ssyncadd.s32 $0xFFFFC180  }
0x4e: {  	[bflag:$0x0] =	sbarrier.arrive $0xFFFF  }
0x4f: {  	[tilespmem:s21], [sflag:$0x1] =	stream.linear.gather [hbm4b:s7+s4], $0x50, $0x38;
	[tilespmem:$0x1F580] =	vst v63  }
0x50: {  	_ = 	snop  }
0x51: {  	[tilespmem:s23], [sflag:$0x1] =	stream.indirect.gather [hbm4b:s1+s22], $0x80, s4, s22, $0xb8;
	[tilespmem:$0x1F580] =	vst v63  }
0x52: {  	s15 =	rddreg [dreg:$0x6]  }
0x53: {  	[tilespmem:s24], [sflag:$0x2] =	stream.linear.gather [hbm4b:s15+s4], $0x50, $0x38;
	[tilespmem:$0x1F580] =	vst v63  }
0x54: {  	s16 =	simm.s32 $0x80  }
0x55: {  	[tilespmem:s26], [sflag:$0x2] =	stream.indirect.gather [hbm4b:s1+s22], $0x80, s16, s22, $0xb8;
	[tilespmem:$0x1F580] =	vst v63  }
0x56: {  	s17 =	rddreg [dreg:$0x7]  }
0x57: {  	[tilespmem:s28], [sflag:$0x3] =	stream.linear.gather [hbm4b:s17+s4], $0x50, $0x38;
	[tilespmem:$0x1F580] =	vst v63  }
0x58: {  	s18 =	simm.s32 $0x100;
	s13 =	simm.s32 $0x0  }
0x59: {  	[tilespmem:s30], [sflag:$0x3] =	stream.indirect.gather [hbm4b:s1+s22], $0x80, s18, s22, $0xb8;
	[tilespmem:$0x1F580] =	vst v63  }
0x5a: {  	s16 =	smov.u32 s12;
	s17 =	smov.u32 s11;
	s18 =	smov.u32 s10  }
.LBB2_2:
0x5b: {  	_ =	swait.ge [sflag:s31], $0x50  }
0x5c: {  	[sflag:s31] =	ssyncset.done $0x0  }
0x5d: {  	[sflag:s31] =	ssyncadd.s32 $0xFFFFFFB0  }
0x5e: {  	_ =	swait.ge [sflag:s31], $0x2800  }
0x5f: {  	[sflag:s31] =	ssyncset.done $0x0  }
0x60: {  	[sflag:s31] =	ssyncadd.s32 $0xFFFFD800  }
0x61: {  	[spmem:s2] =	stream.indirect.scatter.add.f32 [tilespmem:s23], [sflag:$0x4], $0x80, s21, s22, $0xb8;
	[tilespmem:$0x1F580] =	vst v63  }
0x62: {  	_ =	swait.ge [sflag:s0], $0x50  }
0x63: {  	[sflag:s0] =	ssyncset.done $0x0  }
0x64: {  	[sflag:s0] =	ssyncadd.s32 $0xFFFFFFB0  }
0x65: {  	_ =	swait.ge [sflag:s0], $0x2800  }
0x66: {  	[sflag:s0] =	ssyncset.done $0x0  }
0x67: {  	[sflag:s0] =	ssyncadd.s32 $0xFFFFD800  }
0x68: {  	[spmem:s2] =	stream.indirect.scatter.add.f32 [tilespmem:s26], [sflag:$0x5], $0x80, s24, s22, $0xb8;
	[tilespmem:$0x1F580] =	vst v63  }
0x69: {  	_ =	swait.ge [sflag:s3], $0x50  }
0x6a: {  	[sflag:s3] =	ssyncset.done $0x0  }
0x6b: {  	[sflag:s3] =	ssyncadd.s32 $0xFFFFFFB0  }
0x6c: {  	_ =	swait.ge [sflag:s3], $0x2800  }
0x6d: {  	p0 =	seq.s32 s13, $0xF000;
	[sflag:s3] =	ssyncset.done $0x0  }
.Ltmp2:
0x6e: {  	[sflag:s3] =	ssyncadd.s32 $0xFFFFD800;
	(pc) =	sbr.rel @p0 .LBB2_4-.Ltmp2, $4  }
0x6f: {  	[spmem:s2] =	stream.indirect.scatter.add.f32 [tilespmem:s30], [sflag:$0x6], $0x80, s28, s22, $0xb8;
	[tilespmem:$0x1F580] =	vst v63  }
0x70: {  	_ =	swait.ge [sflag:s25], $0x2800  }
0x71: {  	[sflag:s25] =	ssyncset.done $0x0  }
0x72: {  	[sflag:s25] =	ssyncadd.s32 $0xFFFFD800  }
0x73: {  	s14 =	sshrl.u32 s18, $0x3  }
0x74: {  	s14 =	sadd.s32 s5, s14  }
0x75: {  	[tilespmem:s21], [sflag:$0x1] =	stream.linear.gather [hbm4b:s14+s4], $0x50, $0x38;
	[tilespmem:$0x1F580] =	vst v63  }
0x76: {  	s14 =	sshra.s32 s13, $0x2  }
0x77: {  	s15 =	sadd.s32 $0x180, s14  }
0x78: {  	[tilespmem:s23], [sflag:$0x1] =	stream.indirect.gather [hbm4b:s1+s22], $0x80, s15, s22, $0xb8;
	[tilespmem:$0x1F580] =	vst v63  }
0x79: {  	_ =	swait.ge [sflag:s29], $0x2800  }
0x7a: {  	[sflag:s29] =	ssyncset.done $0x0  }
0x7b: {  	[sflag:s29] =	ssyncadd.s32 $0xFFFFD800  }
0x7c: {  	[tilespmem:s24], [sflag:$0x2] =	stream.linear.gather [hbm4b:s17+s4], $0x50, $0x38;
	[tilespmem:$0x1F580] =	vst v63  }
0x7d: {  	s15 =	sadd.s32 $0x200, s14  }
0x7e: {  	[tilespmem:s26], [sflag:$0x2] =	stream.indirect.gather [hbm4b:s1+s22], $0x80, s15, s22, $0xb8;
	[tilespmem:$0x1F580] =	vst v63  }
0x7f: {  	_ =	swait.ge [sflag:s6], $0x2800  }
.Ltmp3:
0x80: {  	[sflag:s6] =	ssyncset.done $0x0;
	(pc) =	sbr.rel .LBB2_2-.Ltmp3, $4  }
0x81: {  	s18 =	sadd.s32 $0xF0, s18;
	s13 =	sadd.s32 $0x600, s13;
	[sflag:s6] =	ssyncadd.s32 $0xFFFFD800  }
0x82: {  	[tilespmem:s28], [sflag:$0x3] =	stream.linear.gather [hbm4b:s16+s4], $0x50, $0x38;
	[tilespmem:$0x1F580] =	vst v63  }
0x83: {  	s14 =	sadd.s32 $0x280, s14;
	s17 =	sadd.s32 $0x1E, s17;
	s16 =	sadd.s32 $0x1E, s16  }
0x84: {  	[tilespmem:s30], [sflag:$0x3] =	stream.indirect.gather [hbm4b:s1+s22], $0x80, s14, s22, $0xb8;
	[tilespmem:$0x1F580] =	vst v63  }
.LBB2_5:
0x85: {  	_ =	sfence.sel $0x180000  }
0x86: {  	[bflag:$0x0] =	sbarrier.arrive $0xFFFF  }
0x87: {  	_ =	strace $0x9000004A  }
0x88: {  	s0 =	stileid.u32;
	[bflag:$0x2] =	sbarrier.arrive $0xFFFF  }
0x89: {  	p0 =	sne.s32 s0, $0x0;
	s0 =	rddreg [dreg:$0x3]  }
0x8a: {  	s0 =	sadd.s32 @!p0 $0x100000, s0  }
0x8b: {  	[sflag:s0] =	ssyncadd.tile.s32 @!p0 $0x1;
	_ =	shalt  }
.Lfunc_end2:
_tile_overlayer_lowered:
.L_overlay_start_2:
0x8c: {  	(tag) =	ssettag $0x2  }
0x8d: {  	s0 =	rddreg [dreg:$0x0];
	s2 =	stileid.u32  }
0x8e: {  	s1 =	rddreg [dreg:$0x1];
	p0 =	sne.s32 s2, $0x0  }
0x8f: {  	s3 =	rddreg [dreg:$0x2];
	[bflag:$0x3] =	sbarrier.arrive $0xFFFF;
	s2 =	simm.s32 @!p0 $0x1C07  }
0x90: {  	[timem:s3], [sflag:s2] =	dma.local @!p0 [hbm:s0], s1  }
0x91: {  	s0 =	simm.s32 @!p0 $0x7  }
0x92: {  	_ =	swait.ge @!p0 [sflag:s0], s1  }
0x93: {  	s1 =	ssub.s32 @!p0 $0x0, s1;
	[sflag:s0] =	ssyncset.done @!p0 $0x0  }
0x94: {  	[sflag:s0] =	ssyncadd.s32 @!p0 s1  }
0x95: {  	[bflag:$0x3] =	sbarrier.arrive $0xFFFF  }
0x96: {  	_ =	shalt  }

</sc_bundles>
